<compile_context>
chip_gen: v7x
topology: tpu7x:2x2x1
jax: 0.10.2.dev20260603
libtpu: 0.0.44.dev20260713+nightly
codegen_flags: <defaults>
</compile_context>

<pallas_src>
import functools

import jax
import jax.numpy as jnp
import numpy as np
from jax import lax
from jax.experimental import pallas as pl
from jax.experimental.pallas import tpu as pltpu
from jax.experimental.pallas import tpu_sc as plsc


@functools.lru_cache(maxsize=None)
def _make_gather(C: int, T: int, H: int, W: int):
    n_slow = T // 4
    lin = [int(v) for v in np.linspace(0.0, T - 1, n_slow).astype(np.int32)]
    assert lin == [(t * (T - 1)) // (n_slow - 1) for t in range(n_slow)]

    info = plsc.get_sparse_core_info()
    n_workers = info.num_subcores

    n_chunks = C * n_slow * 4
    assert n_chunks % n_workers == 0
    per_w = n_chunks // n_workers
    hq = H // 4
    assert hq % 8 == 0

    mesh = plsc.VectorSubcoreMesh(
        core_axis_name="c", subcore_axis_name="s", num_cores=1)

    @functools.partial(
        pl.kernel,
        out_type=jax.ShapeDtypeStruct((C, n_slow, H, W), jnp.float32),
        mesh=mesh,
        scratch_types=(
            [pltpu.VMEM((per_w * hq, W), jnp.float32)]
            + [pltpu.SemaphoreType.DMA] * (2 * per_w)
        ),
    )
    def gather_frames(src_hbm, out_hbm, buf, *sems):
        gsem, ssem = sems[:per_w], sems[per_w:]
        wid = lax.axis_index("s")

        def chunk_coords(j):
            k = per_w * wid + j
            r = k // 4
            q = k % 4
            cc = r // n_slow
            ts = r % n_slow
            st = (ts * (T - 1)) // (n_slow - 1)
            return cc, ts, st, q

        handles = []
        for j in range(per_w):
            cc, ts, st, q = chunk_coords(j)
            handles.append(pltpu.async_copy(
                src_hbm.at[cc, st, pl.ds(q * hq, hq), :],
                buf.at[pl.ds(j * hq, hq), :],
                gsem[j]))
        out_handles = []
        for j in range(per_w):
            handles[j].wait()
            cc, ts, st, q = chunk_coords(j)
            out_handles.append(pltpu.async_copy(
                buf.at[pl.ds(j * hq, hq), :],
                out_hbm.at[cc, ts, pl.ds(q * hq, hq), :],
                ssem[j]))
        for h in out_handles:
            h.wait()

    return gather_frames


def _copy_body(src_ref, out_ref):
    out_ref[...] = src_ref[...]


@functools.lru_cache(maxsize=None)
def _make_fast_copy(C: int, T: int, H: int, W: int):
    return pl.pallas_call(
        _copy_body,
        grid=(C,),
        in_specs=[pl.BlockSpec((1, T, H, W), lambda c: (c, 0, 0, 0))],
        out_specs=pl.BlockSpec((1, T, H, W), lambda c: (c, 0, 0, 0)),
        out_shape=jax.ShapeDtypeStruct((C, T, H, W), jnp.float32),
    )


def kernel(frames):
    C, T, H, W = frames.shape
    slow = _make_gather(C, T, H, W)(frames)
    fast = _make_fast_copy(C, T, H, W)(frames)
    return (slow, fast)

# --- scband reference (transcript-rebuilt; emitter-appended) ---
"""Pipeline reference for scband-pack-pathway-87857851007100 (READ-ONLY COPY).

The authoritative reference and input builder live on the scoring server;
editing this copy changes nothing except your own understanding.
"""

import jax, jax.numpy as jnp
import numpy as np

ALPHA = 4

def setup_inputs(seed: int = 0) -> dict:
    key = jax.random.key(seed)
    frames = jax.random.normal(key, (3, 32, 224, 224), dtype=jnp.float32)
    return {"frames": frames}

def reference(frames):
    T = frames.shape[1]
    # torch.linspace(0, T-1, T//alpha).long() truncates toward zero
    idx = np.linspace(0.0, T - 1, T // ALPHA).astype(np.int32)
    idx = jnp.asarray(idx)
    fast_pathway = frames
    slow_pathway = jnp.take(frames, idx, axis=1)
    return (slow_pathway, fast_pathway)

if __name__ == "__main__":
    import jax
    _d = setup_inputs()
    print(jax.jit(kernel)(*tuple(_d.values())))

</pallas_src>

<mosaic_0001>
#map = affine_map<(d0, d1) -> (0, 0, 0, 0)>
module attributes {stable_mosaic.version = 14 : i64} {
  func.func @gather_frames(%arg0: i32, %arg1: i32, %arg2: memref<3x32x224x224xf32, #tpu.memory_space<hbm>>, %arg3: memref<3x8x224x224xf32, #tpu.memory_space<hbm>>, %arg4: memref<336x224xf32, #tpu.memory_space<vmem>>, %arg5: memref<!tpu.dma_semaphore, #tpu.memory_space<semaphore_mem>>, %arg6: memref<!tpu.dma_semaphore, #tpu.memory_space<semaphore_mem>>, %arg7: memref<!tpu.dma_semaphore, #tpu.memory_space<semaphore_mem>>, %arg8: memref<!tpu.dma_semaphore, #tpu.memory_space<semaphore_mem>>, %arg9: memref<!tpu.dma_semaphore, #tpu.memory_space<semaphore_mem>>, %arg10: memref<!tpu.dma_semaphore, #tpu.memory_space<semaphore_mem>>, %arg11: memref<!tpu.dma_semaphore, #tpu.memory_space<semaphore_mem>>, %arg12: memref<!tpu.dma_semaphore, #tpu.memory_space<semaphore_mem>>, %arg13: memref<!tpu.dma_semaphore, #tpu.memory_space<semaphore_mem>>, %arg14: memref<!tpu.dma_semaphore, #tpu.memory_space<semaphore_mem>>, %arg15: memref<!tpu.dma_semaphore, #tpu.memory_space<semaphore_mem>>, %arg16: memref<!tpu.dma_semaphore, #tpu.memory_space<semaphore_mem>>) attributes {dimension_semantics = [#tpu.dimension_semantics<core_parallel>, #tpu.dimension_semantics<subcore_parallel>], iteration_bounds = array<i64: 1, 16>, scalar_prefetch = 0 : i64, scratch_operands = 13 : i64, tpu.core_type = #tpu.core_type<sc_vector_subcore>, window_params = [{transform_indices = #map}, {transform_indices = #map}]} {
    %mul3A = arith.constant 6 : i32
    %mul3A_0 = arith.muli %mul3A, %arg1 : i32
    %add3A = arith.constant 0 : i32
    %add3A_1 = arith.addi %mul3A_0, %add3A : i32
    %jit3A = arith.constant 4 : i32
    %div3A = arith.divsi %add3A_1, %jit3A : i32
    %sign3A = arith.constant 0 : i32
    %sign3A_2 = arith.cmpi sgt, %add3A_1, %sign3A : i32
    %sign3A_3 = arith.extui %sign3A_2 : i1 to i32
    %sign3A_4 = arith.constant 0 : i32
    %sign3A_5 = arith.cmpi slt, %add3A_1, %sign3A_4 : i32
    %sign3A_6 = arith.extui %sign3A_5 : i1 to i32
    %sign3A_7 = arith.subi %sign3A_3, %sign3A_6 : i32
    %sign3A_8 = arith.constant 0 : i32
    %sign3A_9 = arith.cmpi sgt, %jit3A, %sign3A_8 : i32
    %sign3A_10 = arith.extui %sign3A_9 : i1 to i32
    %sign3A_11 = arith.constant 0 : i32
    %sign3A_12 = arith.cmpi slt, %jit3A, %sign3A_11 : i32
    %sign3A_13 = arith.extui %sign3A_12 : i1 to i32
    %sign3A_14 = arith.subi %sign3A_10, %sign3A_13 : i32
    %ne3A = arith.cmpi ne, %sign3A_7, %sign3A_14 : i32
    %rem3A = arith.remsi %add3A_1, %jit3A : i32
    %ne3A_15 = arith.constant 0 : i32
    %ne3A_16 = arith.cmpi ne, %rem3A, %ne3A_15 : i32
    %and3A = arith.andi %ne3A, %ne3A_16 : i1
    %sub3A = arith.constant 1 : i32
    %sub3A_17 = arith.subi %div3A, %sub3A : i32
    %select_n3A = arith.select %and3A, %sub3A_17, %div3A : i32
    %jit3A_18 = arith.constant 4 : i32
    %eq3A = arith.constant 0 : i32
    %eq3A_19 = arith.cmpi eq, %jit3A_18, %eq3A : i32
    %jit3A_20 = arith.constant 1 : i32
    %select_n3A_21 = arith.select %eq3A_19, %jit3A_20, %jit3A_18 : i32
    %rem3A_22 = arith.remsi %add3A_1, %select_n3A_21 : i32
    %ne3A_23 = arith.constant 0 : i32
    %ne3A_24 = arith.cmpi ne, %rem3A_22, %ne3A_23 : i32
    %lt3A = arith.constant 0 : i32
    %lt3A_25 = arith.cmpi slt, %rem3A_22, %lt3A : i32
    %lt3A_26 = arith.constant 0 : i32
    %lt3A_27 = arith.cmpi slt, %select_n3A_21, %lt3A_26 : i32
    %ne3A_28 = arith.xori %lt3A_25, %lt3A_27 : i1
    %and3A_29 = arith.andi %ne3A_28, %ne3A_24 : i1
    %add3A_30 = arith.addi %rem3A_22, %select_n3A_21 : i32
    %select_n3A_31 = arith.select %and3A_29, %add3A_30, %rem3A_22 : i32
    %jit3A_32 = arith.constant 8 : i32
    %div3A_33 = arith.divsi %select_n3A, %jit3A_32 : i32
    %sign3A_34 = arith.constant 0 : i32
    %sign3A_35 = arith.cmpi sgt, %select_n3A, %sign3A_34 : i32
    %sign3A_36 = arith.extui %sign3A_35 : i1 to i32
    %sign3A_37 = arith.constant 0 : i32
    %sign3A_38 = arith.cmpi slt, %select_n3A, %sign3A_37 : i32
    %sign3A_39 = arith.extui %sign3A_38 : i1 to i32
    %sign3A_40 = arith.subi %sign3A_36, %sign3A_39 : i32
    %sign3A_41 = arith.constant 0 : i32
    %sign3A_42 = arith.cmpi sgt, %jit3A_32, %sign3A_41 : i32
    %sign3A_43 = arith.extui %sign3A_42 : i1 to i32
    %sign3A_44 = arith.constant 0 : i32
    %sign3A_45 = arith.cmpi slt, %jit3A_32, %sign3A_44 : i32
    %sign3A_46 = arith.extui %sign3A_45 : i1 to i32
    %sign3A_47 = arith.subi %sign3A_43, %sign3A_46 : i32
    %ne3A_48 = arith.cmpi ne, %sign3A_40, %sign3A_47 : i32
    %rem3A_49 = arith.remsi %select_n3A, %jit3A_32 : i32
    %ne3A_50 = arith.constant 0 : i32
    %ne3A_51 = arith.cmpi ne, %rem3A_49, %ne3A_50 : i32
    %and3A_52 = arith.andi %ne3A_48, %ne3A_51 : i1
    %sub3A_53 = arith.constant 1 : i32
    %sub3A_54 = arith.subi %div3A_33, %sub3A_53 : i32
    %select_n3A_55 = arith.select %and3A_52, %sub3A_54, %div3A_33 : i32
    %jit3A_56 = arith.constant 8 : i32
    %eq3A_57 = arith.constant 0 : i32
    %eq3A_58 = arith.cmpi eq, %jit3A_56, %eq3A_57 : i32
    %jit3A_59 = arith.constant 1 : i32
    %select_n3A_60 = arith.select %eq3A_58, %jit3A_59, %jit3A_56 : i32
    %rem3A_61 = arith.remsi %select_n3A, %select_n3A_60 : i32
    %ne3A_62 = arith.constant 0 : i32
    %ne3A_63 = arith.cmpi ne, %rem3A_61, %ne3A_62 : i32
    %lt3A_64 = arith.constant 0 : i32
    %lt3A_65 = arith.cmpi slt, %rem3A_61, %lt3A_64 : i32
    %lt3A_66 = arith.constant 0 : i32
    %lt3A_67 = arith.cmpi slt, %select_n3A_60, %lt3A_66 : i32
    %ne3A_68 = arith.xori %lt3A_65, %lt3A_67 : i1
    %and3A_69 = arith.andi %ne3A_68, %ne3A_63 : i1
    %add3A_70 = arith.addi %rem3A_61, %select_n3A_60 : i32
    %select_n3A_71 = arith.select %and3A_69, %add3A_70, %rem3A_61 : i32
    %mul3A_72 = arith.constant 31 : i32
    %mul3A_73 = arith.muli %select_n3A_71, %mul3A_72 : i32
    %jit3A_74 = arith.constant 7 : i32
    %div3A_75 = arith.divsi %mul3A_73, %jit3A_74 : i32
    %sign3A_76 = arith.constant 0 : i32
    %sign3A_77 = arith.cmpi sgt, %mul3A_73, %sign3A_76 : i32
    %sign3A_78 = arith.extui %sign3A_77 : i1 to i32
    %sign3A_79 = arith.constant 0 : i32
    %sign3A_80 = arith.cmpi slt, %mul3A_73, %sign3A_79 : i32
    %sign3A_81 = arith.extui %sign3A_80 : i1 to i32
    %sign3A_82 = arith.subi %sign3A_78, %sign3A_81 : i32
    %sign3A_83 = arith.constant 0 : i32
    %sign3A_84 = arith.cmpi sgt, %jit3A_74, %sign3A_83 : i32
    %sign3A_85 = arith.extui %sign3A_84 : i1 to i32
    %sign3A_86 = arith.constant 0 : i32
    %sign3A_87 = arith.cmpi slt, %jit3A_74, %sign3A_86 : i32
    %sign3A_88 = arith.extui %sign3A_87 : i1 to i32
    %sign3A_89 = arith.subi %sign3A_85, %sign3A_88 : i32
    %ne3A_90 = arith.cmpi ne, %sign3A_82, %sign3A_89 : i32
    %rem3A_91 = arith.remsi %mul3A_73, %jit3A_74 : i32
    %ne3A_92 = arith.constant 0 : i32
    %ne3A_93 = arith.cmpi ne, %rem3A_91, %ne3A_92 : i32
    %and3A_94 = arith.andi %ne3A_90, %ne3A_93 : i1
    %sub3A_95 = arith.constant 1 : i32
    %sub3A_96 = arith.subi %div3A_75, %sub3A_95 : i32
    %select_n3A_97 = arith.select %and3A_94, %sub3A_96, %div3A_75 : i32
    %mul3A_98 = arith.constant 56 : i32
    %mul3A_99 = arith.muli %select_n3A_31, %mul3A_98 : i32
    %dma_start3A = arith.constant 0 : i32
    %dma_start3A_100 = arith.constant 0 : i32
    %dma_start3A_101 = tpu.memref_slice %arg4[%dma_start3A, %dma_start3A_100] : memref<336x224xf32, #tpu.memory_space<vmem>> -> memref<56x224xf32, #tpu.memory_space<vmem>>
    %dma_start3A_102 = arith.constant 0 : i32
    %dma_start3A_103 = tpu.memref_slice %arg2[%select_n3A_55, %select_n3A_97, %mul3A_99, %dma_start3A_102] : memref<3x32x224x224xf32, #tpu.memory_space<hbm>> -> memref<1x1x56x224xf32, #tpu.memory_space<hbm>>
    %dma_start3A_104 = tpu.memref_squeeze %dma_start3A_103 : memref<1x1x56x224xf32, #tpu.memory_space<hbm>> -> memref<56x224xf32, #tpu.memory_space<hbm>>
    %dma_start3A_105 = arith.constant 0 : i32
    %dma_start3A_106 = arith.constant 0 : i32
    %dma_start3A_107 = tpu.memref_slice %arg4[%dma_start3A_105, %dma_start3A_106] : memref<336x224xf32, #tpu.memory_space<vmem>> -> memref<56x224xf32, #tpu.memory_space<vmem>>
    %dma_start3A_108 = arith.constant 0 : i32
    %dma_start3A_109 = tpu.memref_slice %arg2[%select_n3A_55, %select_n3A_97, %mul3A_99, %dma_start3A_108] : memref<3x32x224x224xf32, #tpu.memory_space<hbm>> -> memref<1x1x56x224xf32, #tpu.memory_space<hbm>>
    %dma_start3A_110 = tpu.memref_squeeze %dma_start3A_109 : memref<1x1x56x224xf32, #tpu.memory_space<hbm>> -> memref<56x224xf32, #tpu.memory_space<hbm>>
    tpu.enqueue_dma source(%dma_start3A_110 : memref<56x224xf32, #tpu.memory_space<hbm>>) target(%dma_start3A_107 : memref<56x224xf32, #tpu.memory_space<vmem>>) target_semaphore(%arg5 : memref<!tpu.dma_semaphore, #tpu.memory_space<semaphore_mem>>)
    %mul3A_111 = arith.constant 6 : i32
    %mul3A_112 = arith.muli %mul3A_111, %arg1 : i32
    %add3A_113 = arith.constant 1 : i32
    %add3A_114 = arith.addi %mul3A_112, %add3A_113 : i32
    %jit3A_115 = arith.constant 4 : i32
    %div3A_116 = arith.divsi %add3A_114, %jit3A_115 : i32
    %sign3A_117 = arith.constant 0 : i32
    %sign3A_118 = arith.cmpi sgt, %add3A_114, %sign3A_117 : i32
    %sign3A_119 = arith.extui %sign3A_118 : i1 to i32
    %sign3A_120 = arith.constant 0 : i32
    %sign3A_121 = arith.cmpi slt, %add3A_114, %sign3A_120 : i32
    %sign3A_122 = arith.extui %sign3A_121 : i1 to i32
    %sign3A_123 = arith.subi %sign3A_119, %sign3A_122 : i32
    %sign3A_124 = arith.constant 0 : i32
    %sign3A_125 = arith.cmpi sgt, %jit3A_115, %sign3A_124 : i32
    %sign3A_126 = arith.extui %sign3A_125 : i1 to i32
    %sign3A_127 = arith.constant 0 : i32
    %sign3A_128 = arith.cmpi slt, %jit3A_115, %sign3A_127 : i32
    %sign3A_129 = arith.extui %sign3A_128 : i1 to i32
    %sign3A_130 = arith.subi %sign3A_126, %sign3A_129 : i32
    %ne3A_131 = arith.cmpi ne, %sign3A_123, %sign3A_130 : i32
    %rem3A_132 = arith.remsi %add3A_114, %jit3A_115 : i32
    %ne3A_133 = arith.constant 0 : i32
    %ne3A_134 = arith.cmpi ne, %rem3A_132, %ne3A_133 : i32
    %and3A_135 = arith.andi %ne3A_131, %ne3A_134 : i1
    %sub3A_136 = arith.constant 1 : i32
    %sub3A_137 = arith.subi %div3A_116, %sub3A_136 : i32
    %select_n3A_138 = arith.select %and3A_135, %sub3A_137, %div3A_116 : i32
    %jit3A_139 = arith.constant 4 : i32
    %eq3A_140 = arith.constant 0 : i32
    %eq3A_141 = arith.cmpi eq, %jit3A_139, %eq3A_140 : i32
    %jit3A_142 = arith.constant 1 : i32
    %select_n3A_143 = arith.select %eq3A_141, %jit3A_142, %jit3A_139 : i32
    %rem3A_144 = arith.remsi %add3A_114, %select_n3A_143 : i32
    %ne3A_145 = arith.constant 0 : i32
    %ne3A_146 = arith.cmpi ne, %rem3A_144, %ne3A_145 : i32
    %lt3A_147 = arith.constant 0 : i32
    %lt3A_148 = arith.cmpi slt, %rem3A_144, %lt3A_147 : i32
    %lt3A_149 = arith.constant 0 : i32
    %lt3A_150 = arith.cmpi slt, %select_n3A_143, %lt3A_149 : i32
    %ne3A_151 = arith.xori %lt3A_148, %lt3A_150 : i1
    %and3A_152 = arith.andi %ne3A_151, %ne3A_146 : i1
    %add3A_153 = arith.addi %rem3A_144, %select_n3A_143 : i32
    %select_n3A_154 = arith.select %and3A_152, %add3A_153, %rem3A_144 : i32
    %jit3A_155 = arith.constant 8 : i32
    %div3A_156 = arith.divsi %select_n3A_138, %jit3A_155 : i32
    %sign3A_157 = arith.constant 0 : i32
    %sign3A_158 = arith.cmpi sgt, %select_n3A_138, %sign3A_157 : i32
    %sign3A_159 = arith.extui %sign3A_158 : i1 to i32
    %sign3A_160 = arith.constant 0 : i32
    %sign3A_161 = arith.cmpi slt, %select_n3A_138, %sign3A_160 : i32
    %sign3A_162 = arith.extui %sign3A_161 : i1 to i32
    %sign3A_163 = arith.subi %sign3A_159, %sign3A_162 : i32
    %sign3A_164 = arith.constant 0 : i32
    %sign3A_165 = arith.cmpi sgt, %jit3A_155, %sign3A_164 : i32
    %sign3A_166 = arith.extui %sign3A_165 : i1 to i32
    %sign3A_167 = arith.constant 0 : i32
    %sign3A_168 = arith.cmpi slt, %jit3A_155, %sign3A_167 : i32
    %sign3A_169 = arith.extui %sign3A_168 : i1 to i32
    %sign3A_170 = arith.subi %sign3A_166, %sign3A_169 : i32
    %ne3A_171 = arith.cmpi ne, %sign3A_163, %sign3A_170 : i32
    %rem3A_172 = arith.remsi %select_n3A_138, %jit3A_155 : i32
    %ne3A_173 = arith.constant 0 : i32
    %ne3A_174 = arith.cmpi ne, %rem3A_172, %ne3A_173 : i32
    %and3A_175 = arith.andi %ne3A_171, %ne3A_174 : i1
    %sub3A_176 = arith.constant 1 : i32
    %sub3A_177 = arith.subi %div3A_156, %sub3A_176 : i32
    %select_n3A_178 = arith.select %and3A_175, %sub3A_177, %div3A_156 : i32
    %jit3A_179 = arith.constant 8 : i32
    %eq3A_180 = arith.constant 0 : i32
    %eq3A_181 = arith.cmpi eq, %jit3A_179, %eq3A_180 : i32
    %jit3A_182 = arith.constant 1 : i32
    %select_n3A_183 = arith.select %eq3A_181, %jit3A_182, %jit3A_179 : i32
    %rem3A_184 = arith.remsi %select_n3A_138, %select_n3A_183 : i32
    %ne3A_185 = arith.constant 0 : i32
    %ne3A_186 = arith.cmpi ne, %rem3A_184, %ne3A_185 : i32
    %lt3A_187 = arith.constant 0 : i32
    %lt3A_188 = arith.cmpi slt, %rem3A_184, %lt3A_187 : i32
    %lt3A_189 = arith.constant 0 : i32
    %lt3A_190 = arith.cmpi slt, %select_n3A_183, %lt3A_189 : i32
    %ne3A_191 = arith.xori %lt3A_188, %lt3A_190 : i1
    %and3A_192 = arith.andi %ne3A_191, %ne3A_186 : i1
    %add3A_193 = arith.addi %rem3A_184, %select_n3A_183 : i32
    %select_n3A_194 = arith.select %and3A_192, %add3A_193, %rem3A_184 : i32
    %mul3A_195 = arith.constant 31 : i32
    %mul3A_196 = arith.muli %select_n3A_194, %mul3A_195 : i32
    %jit3A_197 = arith.constant 7 : i32
    %div3A_198 = arith.divsi %mul3A_196, %jit3A_197 : i32
    %sign3A_199 = arith.constant 0 : i32
    %sign3A_200 = arith.cmpi sgt, %mul3A_196, %sign3A_199 : i32
    %sign3A_201 = arith.extui %sign3A_200 : i1 to i32
    %sign3A_202 = arith.constant 0 : i32
    %sign3A_203 = arith.cmpi slt, %mul3A_196, %sign3A_202 : i32
    %sign3A_204 = arith.extui %sign3A_203 : i1 to i32
    %sign3A_205 = arith.subi %sign3A_201, %sign3A_204 : i32
    %sign3A_206 = arith.constant 0 : i32
    %sign3A_207 = arith.cmpi sgt, %jit3A_197, %sign3A_206 : i32
    %sign3A_208 = arith.extui %sign3A_207 : i1 to i32
    %sign3A_209 = arith.constant 0 : i32
    %sign3A_210 = arith.cmpi slt, %jit3A_197, %sign3A_209 : i32
    %sign3A_211 = arith.extui %sign3A_210 : i1 to i32
    %sign3A_212 = arith.subi %sign3A_208, %sign3A_211 : i32
    %ne3A_213 = arith.cmpi ne, %sign3A_205, %sign3A_212 : i32
    %rem3A_214 = arith.remsi %mul3A_196, %jit3A_197 : i32
    %ne3A_215 = arith.constant 0 : i32
    %ne3A_216 = arith.cmpi ne, %rem3A_214, %ne3A_215 : i32
    %and3A_217 = arith.andi %ne3A_213, %ne3A_216 : i1
    %sub3A_218 = arith.constant 1 : i32
    %sub3A_219 = arith.subi %div3A_198, %sub3A_218 : i32
    %select_n3A_220 = arith.select %and3A_217, %sub3A_219, %div3A_198 : i32
    %mul3A_221 = arith.constant 56 : i32
    %mul3A_222 = arith.muli %select_n3A_154, %mul3A_221 : i32
    %dma_start3A_223 = arith.constant 56 : i32
    %dma_start3A_224 = arith.constant 0 : i32
    %dma_start3A_225 = tpu.memref_slice %arg4[%dma_start3A_223, %dma_start3A_224] : memref<336x224xf32, #tpu.memory_space<vmem>> -> memref<56x224xf32, #tpu.memory_space<vmem>>
    %dma_start3A_226 = arith.constant 0 : i32
    %dma_start3A_227 = tpu.memref_slice %arg2[%select_n3A_178, %select_n3A_220, %mul3A_222, %dma_start3A_226] : memref<3x32x224x224xf32, #tpu.memory_space<hbm>> -> memref<1x1x56x224xf32, #tpu.memory_space<hbm>>
    %dma_start3A_228 = tpu.memref_squeeze %dma_start3A_227 : memref<1x1x56x224xf32, #tpu.memory_space<hbm>> -> memref<56x224xf32, #tpu.memory_space<hbm>>
    %dma_start3A_229 = arith.constant 56 : i32
    %dma_start3A_230 = arith.constant 0 : i32
    %dma_start3A_231 = tpu.memref_slice %arg4[%dma_start3A_229, %dma_start3A_230] : memref<336x224xf32, #tpu.memory_space<vmem>> -> memref<56x224xf32, #tpu.memory_space<vmem>>
    %dma_start3A_232 = arith.constant 0 : i32
    %dma_start3A_233 = tpu.memref_slice %arg2[%select_n3A_178, %select_n3A_220, %mul3A_222, %dma_start3A_232] : memref<3x32x224x224xf32, #tpu.memory_space<hbm>> -> memref<1x1x56x224xf32, #tpu.memory_space<hbm>>
    %dma_start3A_234 = tpu.memref_squeeze %dma_start3A_233 : memref<1x1x56x224xf32, #tpu.memory_space<hbm>> -> memref<56x224xf32, #tpu.memory_space<hbm>>
    tpu.enqueue_dma source(%dma_start3A_234 : memref<56x224xf32, #tpu.memory_space<hbm>>) target(%dma_start3A_231 : memref<56x224xf32, #tpu.memory_space<vmem>>) target_semaphore(%arg6 : memref<!tpu.dma_semaphore, #tpu.memory_space<semaphore_mem>>)
    %mul3A_235 = arith.constant 6 : i32
    %mul3A_236 = arith.muli %mul3A_235, %arg1 : i32
    %add3A_237 = arith.constant 2 : i32
    %add3A_238 = arith.addi %mul3A_236, %add3A_237 : i32
    %jit3A_239 = arith.constant 4 : i32
    %div3A_240 = arith.divsi %add3A_238, %jit3A_239 : i32
    %sign3A_241 = arith.constant 0 : i32
    %sign3A_242 = arith.cmpi sgt, %add3A_238, %sign3A_241 : i32
    %sign3A_243 = arith.extui %sign3A_242 : i1 to i32
    %sign3A_244 = arith.constant 0 : i32
    %sign3A_245 = arith.cmpi slt, %add3A_238, %sign3A_244 : i32
    %sign3A_246 = arith.extui %sign3A_245 : i1 to i32
    %sign3A_247 = arith.subi %sign3A_243, %sign3A_246 : i32
    %sign3A_248 = arith.constant 0 : i32
    %sign3A_249 = arith.cmpi sgt, %jit3A_239, %sign3A_248 : i32
    %sign3A_250 = arith.extui %sign3A_249 : i1 to i32
    %sign3A_251 = arith.constant 0 : i32
    %sign3A_252 = arith.cmpi slt, %jit3A_239, %sign3A_251 : i32
    %sign3A_253 = arith.extui %sign3A_252 : i1 to i32
    %sign3A_254 = arith.subi %sign3A_250, %sign3A_253 : i32
    %ne3A_255 = arith.cmpi ne, %sign3A_247, %sign3A_254 : i32
    %rem3A_256 = arith.remsi %add3A_238, %jit3A_239 : i32
    %ne3A_257 = arith.constant 0 : i32
    %ne3A_258 = arith.cmpi ne, %rem3A_256, %ne3A_257 : i32
    %and3A_259 = arith.andi %ne3A_255, %ne3A_258 : i1
    %sub3A_260 = arith.constant 1 : i32
    %sub3A_261 = arith.subi %div3A_240, %sub3A_260 : i32
    %select_n3A_262 = arith.select %and3A_259, %sub3A_261, %div3A_240 : i32
    %jit3A_263 = arith.constant 4 : i32
    %eq3A_264 = arith.constant 0 : i32
    %eq3A_265 = arith.cmpi eq, %jit3A_263, %eq3A_264 : i32
    %jit3A_266 = arith.constant 1 : i32
    %select_n3A_267 = arith.select %eq3A_265, %jit3A_266, %jit3A_263 : i32
    %rem3A_268 = arith.remsi %add3A_238, %select_n3A_267 : i32
    %ne3A_269 = arith.constant 0 : i32
    %ne3A_270 = arith.cmpi ne, %rem3A_268, %ne3A_269 : i32
    %lt3A_271 = arith.constant 0 : i32
    %lt3A_272 = arith.cmpi slt, %rem3A_268, %lt3A_271 : i32
    %lt3A_273 = arith.constant 0 : i32
    %lt3A_274 = arith.cmpi slt, %select_n3A_267, %lt3A_273 : i32
    %ne3A_275 = arith.xori %lt3A_272, %lt3A_274 : i1
    %and3A_276 = arith.andi %ne3A_275, %ne3A_270 : i1
    %add3A_277 = arith.addi %rem3A_268, %select_n3A_267 : i32
    %select_n3A_278 = arith.select %and3A_276, %add3A_277, %rem3A_268 : i32
    %jit3A_279 = arith.constant 8 : i32
    %div3A_280 = arith.divsi %select_n3A_262, %jit3A_279 : i32
    %sign3A_281 = arith.constant 0 : i32
    %sign3A_282 = arith.cmpi sgt, %select_n3A_262, %sign3A_281 : i32
    %sign3A_283 = arith.extui %sign3A_282 : i1 to i32
    %sign3A_284 = arith.constant 0 : i32
    %sign3A_285 = arith.cmpi slt, %select_n3A_262, %sign3A_284 : i32
    %sign3A_286 = arith.extui %sign3A_285 : i1 to i32
    %sign3A_287 = arith.subi %sign3A_283, %sign3A_286 : i32
    %sign3A_288 = arith.constant 0 : i32
    %sign3A_289 = arith.cmpi sgt, %jit3A_279, %sign3A_288 : i32
    %sign3A_290 = arith.extui %sign3A_289 : i1 to i32
    %sign3A_291 = arith.constant 0 : i32
    %sign3A_292 = arith.cmpi slt, %jit3A_279, %sign3A_291 : i32
    %sign3A_293 = arith.extui %sign3A_292 : i1 to i32
    %sign3A_294 = arith.subi %sign3A_290, %sign3A_293 : i32
    %ne3A_295 = arith.cmpi ne, %sign3A_287, %sign3A_294 : i32
    %rem3A_296 = arith.remsi %select_n3A_262, %jit3A_279 : i32
    %ne3A_297 = arith.constant 0 : i32
    %ne3A_298 = arith.cmpi ne, %rem3A_296, %ne3A_297 : i32
    %and3A_299 = arith.andi %ne3A_295, %ne3A_298 : i1
    %sub3A_300 = arith.constant 1 : i32
    %sub3A_301 = arith.subi %div3A_280, %sub3A_300 : i32
    %select_n3A_302 = arith.select %and3A_299, %sub3A_301, %div3A_280 : i32
    %jit3A_303 = arith.constant 8 : i32
    %eq3A_304 = arith.constant 0 : i32
    %eq3A_305 = arith.cmpi eq, %jit3A_303, %eq3A_304 : i32
    %jit3A_306 = arith.constant 1 : i32
    %select_n3A_307 = arith.select %eq3A_305, %jit3A_306, %jit3A_303 : i32
    %rem3A_308 = arith.remsi %select_n3A_262, %select_n3A_307 : i32
    %ne3A_309 = arith.constant 0 : i32
    %ne3A_310 = arith.cmpi ne, %rem3A_308, %ne3A_309 : i32
    %lt3A_311 = arith.constant 0 : i32
    %lt3A_312 = arith.cmpi slt, %rem3A_308, %lt3A_311 : i32
    %lt3A_313 = arith.constant 0 : i32
    %lt3A_314 = arith.cmpi slt, %select_n3A_307, %lt3A_313 : i32
    %ne3A_315 = arith.xori %lt3A_312, %lt3A_314 : i1
    %and3A_316 = arith.andi %ne3A_315, %ne3A_310 : i1
    %add3A_317 = arith.addi %rem3A_308, %select_n3A_307 : i32
    %select_n3A_318 = arith.select %and3A_316, %add3A_317, %rem3A_308 : i32
    %mul3A_319 = arith.constant 31 : i32
    %mul3A_320 = arith.muli %select_n3A_318, %mul3A_319 : i32
    %jit3A_321 = arith.constant 7 : i32
    %div3A_322 = arith.divsi %mul3A_320, %jit3A_321 : i32
    %sign3A_323 = arith.constant 0 : i32
    %sign3A_324 = arith.cmpi sgt, %mul3A_320, %sign3A_323 : i32
    %sign3A_325 = arith.extui %sign3A_324 : i1 to i32
    %sign3A_326 = arith.constant 0 : i32
    %sign3A_327 = arith.cmpi slt, %mul3A_320, %sign3A_326 : i32
    %sign3A_328 = arith.extui %sign3A_327 : i1 to i32
    %sign3A_329 = arith.subi %sign3A_325, %sign3A_328 : i32
    %sign3A_330 = arith.constant 0 : i32
    %sign3A_331 = arith.cmpi sgt, %jit3A_321, %sign3A_330 : i32
    %sign3A_332 = arith.extui %sign3A_331 : i1 to i32
    %sign3A_333 = arith.constant 0 : i32
    %sign3A_334 = arith.cmpi slt, %jit3A_321, %sign3A_333 : i32
    %sign3A_335 = arith.extui %sign3A_334 : i1 to i32
    %sign3A_336 = arith.subi %sign3A_332, %sign3A_335 : i32
    %ne3A_337 = arith.cmpi ne, %sign3A_329, %sign3A_336 : i32
    %rem3A_338 = arith.remsi %mul3A_320, %jit3A_321 : i32
    %ne3A_339 = arith.constant 0 : i32
    %ne3A_340 = arith.cmpi ne, %rem3A_338, %ne3A_339 : i32
    %and3A_341 = arith.andi %ne3A_337, %ne3A_340 : i1
    %sub3A_342 = arith.constant 1 : i32
    %sub3A_343 = arith.subi %div3A_322, %sub3A_342 : i32
    %select_n3A_344 = arith.select %and3A_341, %sub3A_343, %div3A_322 : i32
    %mul3A_345 = arith.constant 56 : i32
    %mul3A_346 = arith.muli %select_n3A_278, %mul3A_345 : i32
    %dma_start3A_347 = arith.constant 112 : i32
    %dma_start3A_348 = arith.constant 0 : i32
    %dma_start3A_349 = tpu.memref_slice %arg4[%dma_start3A_347, %dma_start3A_348] : memref<336x224xf32, #tpu.memory_space<vmem>> -> memref<56x224xf32, #tpu.memory_space<vmem>>
    %dma_start3A_350 = arith.constant 0 : i32
    %dma_start3A_351 = tpu.memref_slice %arg2[%select_n3A_302, %select_n3A_344, %mul3A_346, %dma_start3A_350] : memref<3x32x224x224xf32, #tpu.memory_space<hbm>> -> memref<1x1x56x224xf32, #tpu.memory_space<hbm>>
    %dma_start3A_352 = tpu.memref_squeeze %dma_start3A_351 : memref<1x1x56x224xf32, #tpu.memory_space<hbm>> -> memref<56x224xf32, #tpu.memory_space<hbm>>
    %dma_start3A_353 = arith.constant 112 : i32
    %dma_start3A_354 = arith.constant 0 : i32
    %dma_start3A_355 = tpu.memref_slice %arg4[%dma_start3A_353, %dma_start3A_354] : memref<336x224xf32, #tpu.memory_space<vmem>> -> memref<56x224xf32, #tpu.memory_space<vmem>>
    %dma_start3A_356 = arith.constant 0 : i32
    %dma_start3A_357 = tpu.memref_slice %arg2[%select_n3A_302, %select_n3A_344, %mul3A_346, %dma_start3A_356] : memref<3x32x224x224xf32, #tpu.memory_space<hbm>> -> memref<1x1x56x224xf32, #tpu.memory_space<hbm>>
    %dma_start3A_358 = tpu.memref_squeeze %dma_start3A_357 : memref<1x1x56x224xf32, #tpu.memory_space<hbm>> -> memref<56x224xf32, #tpu.memory_space<hbm>>
    tpu.enqueue_dma source(%dma_start3A_358 : memref<56x224xf32, #tpu.memory_space<hbm>>) target(%dma_start3A_355 : memref<56x224xf32, #tpu.memory_space<vmem>>) target_semaphore(%arg7 : memref<!tpu.dma_semaphore, #tpu.memory_space<semaphore_mem>>)
    %mul3A_359 = arith.constant 6 : i32
    %mul3A_360 = arith.muli %mul3A_359, %arg1 : i32
    %add3A_361 = arith.constant 3 : i32
    %add3A_362 = arith.addi %mul3A_360, %add3A_361 : i32
    %jit3A_363 = arith.constant 4 : i32
    %div3A_364 = arith.divsi %add3A_362, %jit3A_363 : i32
    %sign3A_365 = arith.constant 0 : i32
    %sign3A_366 = arith.cmpi sgt, %add3A_362, %sign3A_365 : i32
    %sign3A_367 = arith.extui %sign3A_366 : i1 to i32
    %sign3A_368 = arith.constant 0 : i32
    %sign3A_369 = arith.cmpi slt, %add3A_362, %sign3A_368 : i32
    %sign3A_370 = arith.extui %sign3A_369 : i1 to i32
    %sign3A_371 = arith.subi %sign3A_367, %sign3A_370 : i32
    %sign3A_372 = arith.constant 0 : i32
    %sign3A_373 = arith.cmpi sgt, %jit3A_363, %sign3A_372 : i32
    %sign3A_374 = arith.extui %sign3A_373 : i1 to i32
    %sign3A_375 = arith.constant 0 : i32
    %sign3A_376 = arith.cmpi slt, %jit3A_363, %sign3A_375 : i32
    %sign3A_377 = arith.extui %sign3A_376 : i1 to i32
    %sign3A_378 = arith.subi %sign3A_374, %sign3A_377 : i32
    %ne3A_379 = arith.cmpi ne, %sign3A_371, %sign3A_378 : i32
    %rem3A_380 = arith.remsi %add3A_362, %jit3A_363 : i32
    %ne3A_381 = arith.constant 0 : i32
    %ne3A_382 = arith.cmpi ne, %rem3A_380, %ne3A_381 : i32
    %and3A_383 = arith.andi %ne3A_379, %ne3A_382 : i1
    %sub3A_384 = arith.constant 1 : i32
    %sub3A_385 = arith.subi %div3A_364, %sub3A_384 : i32
    %select_n3A_386 = arith.select %and3A_383, %sub3A_385, %div3A_364 : i32
    %jit3A_387 = arith.constant 4 : i32
    %eq3A_388 = arith.constant 0 : i32
    %eq3A_389 = arith.cmpi eq, %jit3A_387, %eq3A_388 : i32
    %jit3A_390 = arith.constant 1 : i32
    %select_n3A_391 = arith.select %eq3A_389, %jit3A_390, %jit3A_387 : i32
    %rem3A_392 = arith.remsi %add3A_362, %select_n3A_391 : i32
    %ne3A_393 = arith.constant 0 : i32
    %ne3A_394 = arith.cmpi ne, %rem3A_392, %ne3A_393 : i32
    %lt3A_395 = arith.constant 0 : i32
    %lt3A_396 = arith.cmpi slt, %rem3A_392, %lt3A_395 : i32
    %lt3A_397 = arith.constant 0 : i32
    %lt3A_398 = arith.cmpi slt, %select_n3A_391, %lt3A_397 : i32
    %ne3A_399 = arith.xori %lt3A_396, %lt3A_398 : i1
    %and3A_400 = arith.andi %ne3A_399, %ne3A_394 : i1
    %add3A_401 = arith.addi %rem3A_392, %select_n3A_391 : i32
    %select_n3A_402 = arith.select %and3A_400, %add3A_401, %rem3A_392 : i32
    %jit3A_403 = arith.constant 8 : i32
    %div3A_404 = arith.divsi %select_n3A_386, %jit3A_403 : i32
    %sign3A_405 = arith.constant 0 : i32
    %sign3A_406 = arith.cmpi sgt, %select_n3A_386, %sign3A_405 : i32
    %sign3A_407 = arith.extui %sign3A_406 : i1 to i32
    %sign3A_408 = arith.constant 0 : i32
    %sign3A_409 = arith.cmpi slt, %select_n3A_386, %sign3A_408 : i32
    %sign3A_410 = arith.extui %sign3A_409 : i1 to i32
    %sign3A_411 = arith.subi %sign3A_407, %sign3A_410 : i32
    %sign3A_412 = arith.constant 0 : i32
    %sign3A_413 = arith.cmpi sgt, %jit3A_403, %sign3A_412 : i32
    %sign3A_414 = arith.extui %sign3A_413 : i1 to i32
    %sign3A_415 = arith.constant 0 : i32
    %sign3A_416 = arith.cmpi slt, %jit3A_403, %sign3A_415 : i32
    %sign3A_417 = arith.extui %sign3A_416 : i1 to i32
    %sign3A_418 = arith.subi %sign3A_414, %sign3A_417 : i32
    %ne3A_419 = arith.cmpi ne, %sign3A_411, %sign3A_418 : i32
    %rem3A_420 = arith.remsi %select_n3A_386, %jit3A_403 : i32
    %ne3A_421 = arith.constant 0 : i32
    %ne3A_422 = arith.cmpi ne, %rem3A_420, %ne3A_421 : i32
    %and3A_423 = arith.andi %ne3A_419, %ne3A_422 : i1
    %sub3A_424 = arith.constant 1 : i32
    %sub3A_425 = arith.subi %div3A_404, %sub3A_424 : i32
    %select_n3A_426 = arith.select %and3A_423, %sub3A_425, %div3A_404 : i32
    %jit3A_427 = arith.constant 8 : i32
    %eq3A_428 = arith.constant 0 : i32
    %eq3A_429 = arith.cmpi eq, %jit3A_427, %eq3A_428 : i32
    %jit3A_430 = arith.constant 1 : i32
    %select_n3A_431 = arith.select %eq3A_429, %jit3A_430, %jit3A_427 : i32
    %rem3A_432 = arith.remsi %select_n3A_386, %select_n3A_431 : i32
    %ne3A_433 = arith.constant 0 : i32
    %ne3A_434 = arith.cmpi ne, %rem3A_432, %ne3A_433 : i32
    %lt3A_435 = arith.constant 0 : i32
    %lt3A_436 = arith.cmpi slt, %rem3A_432, %lt3A_435 : i32
    %lt3A_437 = arith.constant 0 : i32
    %lt3A_438 = arith.cmpi slt, %select_n3A_431, %lt3A_437 : i32
    %ne3A_439 = arith.xori %lt3A_436, %lt3A_438 : i1
    %and3A_440 = arith.andi %ne3A_439, %ne3A_434 : i1
    %add3A_441 = arith.addi %rem3A_432, %select_n3A_431 : i32
    %select_n3A_442 = arith.select %and3A_440, %add3A_441, %rem3A_432 : i32
    %mul3A_443 = arith.constant 31 : i32
    %mul3A_444 = arith.muli %select_n3A_442, %mul3A_443 : i32
    %jit3A_445 = arith.constant 7 : i32
    %div3A_446 = arith.divsi %mul3A_444, %jit3A_445 : i32
    %sign3A_447 = arith.constant 0 : i32
    %sign3A_448 = arith.cmpi sgt, %mul3A_444, %sign3A_447 : i32
    %sign3A_449 = arith.extui %sign3A_448 : i1 to i32
    %sign3A_450 = arith.constant 0 : i32
    %sign3A_451 = arith.cmpi slt, %mul3A_444, %sign3A_450 : i32
    %sign3A_452 = arith.extui %sign3A_451 : i1 to i32
    %sign3A_453 = arith.subi %sign3A_449, %sign3A_452 : i32
    %sign3A_454 = arith.constant 0 : i32
    %sign3A_455 = arith.cmpi sgt, %jit3A_445, %sign3A_454 : i32
    %sign3A_456 = arith.extui %sign3A_455 : i1 to i32
    %sign3A_457 = arith.constant 0 : i32
    %sign3A_458 = arith.cmpi slt, %jit3A_445, %sign3A_457 : i32
    %sign3A_459 = arith.extui %sign3A_458 : i1 to i32
    %sign3A_460 = arith.subi %sign3A_456, %sign3A_459 : i32
    %ne3A_461 = arith.cmpi ne, %sign3A_453, %sign3A_460 : i32
    %rem3A_462 = arith.remsi %mul3A_444, %jit3A_445 : i32
    %ne3A_463 = arith.constant 0 : i32
    %ne3A_464 = arith.cmpi ne, %rem3A_462, %ne3A_463 : i32
    %and3A_465 = arith.andi %ne3A_461, %ne3A_464 : i1
    %sub3A_466 = arith.constant 1 : i32
    %sub3A_467 = arith.subi %div3A_446, %sub3A_466 : i32
    %select_n3A_468 = arith.select %and3A_465, %sub3A_467, %div3A_446 : i32
    %mul3A_469 = arith.constant 56 : i32
    %mul3A_470 = arith.muli %select_n3A_402, %mul3A_469 : i32
    %dma_start3A_471 = arith.constant 168 : i32
    %dma_start3A_472 = arith.constant 0 : i32
    %dma_start3A_473 = tpu.memref_slice %arg4[%dma_start3A_471, %dma_start3A_472] : memref<336x224xf32, #tpu.memory_space<vmem>> -> memref<56x224xf32, #tpu.memory_space<vmem>>
    %dma_start3A_474 = arith.constant 0 : i32
    %dma_start3A_475 = tpu.memref_slice %arg2[%select_n3A_426, %select_n3A_468, %mul3A_470, %dma_start3A_474] : memref<3x32x224x224xf32, #tpu.memory_space<hbm>> -> memref<1x1x56x224xf32, #tpu.memory_space<hbm>>
    %dma_start3A_476 = tpu.memref_squeeze %dma_start3A_475 : memref<1x1x56x224xf32, #tpu.memory_space<hbm>> -> memref<56x224xf32, #tpu.memory_space<hbm>>
    %dma_start3A_477 = arith.constant 168 : i32
    %dma_start3A_478 = arith.constant 0 : i32
    %dma_start3A_479 = tpu.memref_slice %arg4[%dma_start3A_477, %dma_start3A_478] : memref<336x224xf32, #tpu.memory_space<vmem>> -> memref<56x224xf32, #tpu.memory_space<vmem>>
    %dma_start3A_480 = arith.constant 0 : i32
    %dma_start3A_481 = tpu.memref_slice %arg2[%select_n3A_426, %select_n3A_468, %mul3A_470, %dma_start3A_480] : memref<3x32x224x224xf32, #tpu.memory_space<hbm>> -> memref<1x1x56x224xf32, #tpu.memory_space<hbm>>
    %dma_start3A_482 = tpu.memref_squeeze %dma_start3A_481 : memref<1x1x56x224xf32, #tpu.memory_space<hbm>> -> memref<56x224xf32, #tpu.memory_space<hbm>>
    tpu.enqueue_dma source(%dma_start3A_482 : memref<56x224xf32, #tpu.memory_space<hbm>>) target(%dma_start3A_479 : memref<56x224xf32, #tpu.memory_space<vmem>>) target_semaphore(%arg8 : memref<!tpu.dma_semaphore, #tpu.memory_space<semaphore_mem>>)
    %mul3A_483 = arith.constant 6 : i32
    %mul3A_484 = arith.muli %mul3A_483, %arg1 : i32
    %add3A_485 = arith.constant 4 : i32
    %add3A_486 = arith.addi %mul3A_484, %add3A_485 : i32
    %jit3A_487 = arith.constant 4 : i32
    %div3A_488 = arith.divsi %add3A_486, %jit3A_487 : i32
    %sign3A_489 = arith.constant 0 : i32
    %sign3A_490 = arith.cmpi sgt, %add3A_486, %sign3A_489 : i32
    %sign3A_491 = arith.extui %sign3A_490 : i1 to i32
    %sign3A_492 = arith.constant 0 : i32
    %sign3A_493 = arith.cmpi slt, %add3A_486, %sign3A_492 : i32
    %sign3A_494 = arith.extui %sign3A_493 : i1 to i32
    %sign3A_495 = arith.subi %sign3A_491, %sign3A_494 : i32
    %sign3A_496 = arith.constant 0 : i32
    %sign3A_497 = arith.cmpi sgt, %jit3A_487, %sign3A_496 : i32
    %sign3A_498 = arith.extui %sign3A_497 : i1 to i32
    %sign3A_499 = arith.constant 0 : i32
    %sign3A_500 = arith.cmpi slt, %jit3A_487, %sign3A_499 : i32
    %sign3A_501 = arith.extui %sign3A_500 : i1 to i32
    %sign3A_502 = arith.subi %sign3A_498, %sign3A_501 : i32
    %ne3A_503 = arith.cmpi ne, %sign3A_495, %sign3A_502 : i32
    %rem3A_504 = arith.remsi %add3A_486, %jit3A_487 : i32
    %ne3A_505 = arith.constant 0 : i32
    %ne3A_506 = arith.cmpi ne, %rem3A_504, %ne3A_505 : i32
    %and3A_507 = arith.andi %ne3A_503, %ne3A_506 : i1
    %sub3A_508 = arith.constant 1 : i32
    %sub3A_509 = arith.subi %div3A_488, %sub3A_508 : i32
    %select_n3A_510 = arith.select %and3A_507, %sub3A_509, %div3A_488 : i32
    %jit3A_511 = arith.constant 4 : i32
    %eq3A_512 = arith.constant 0 : i32
    %eq3A_513 = arith.cmpi eq, %jit3A_511, %eq3A_512 : i32
    %jit3A_514 = arith.constant 1 : i32
    %select_n3A_515 = arith.select %eq3A_513, %jit3A_514, %jit3A_511 : i32
    %rem3A_516 = arith.remsi %add3A_486, %select_n3A_515 : i32
    %ne3A_517 = arith.constant 0 : i32
    %ne3A_518 = arith.cmpi ne, %rem3A_516, %ne3A_517 : i32
    %lt3A_519 = arith.constant 0 : i32
    %lt3A_520 = arith.cmpi slt, %rem3A_516, %lt3A_519 : i32
    %lt3A_521 = arith.constant 0 : i32
    %lt3A_522 = arith.cmpi slt, %select_n3A_515, %lt3A_521 : i32
    %ne3A_523 = arith.xori %lt3A_520, %lt3A_522 : i1
    %and3A_524 = arith.andi %ne3A_523, %ne3A_518 : i1
    %add3A_525 = arith.addi %rem3A_516, %select_n3A_515 : i32
    %select_n3A_526 = arith.select %and3A_524, %add3A_525, %rem3A_516 : i32
    %jit3A_527 = arith.constant 8 : i32
    %div3A_528 = arith.divsi %select_n3A_510, %jit3A_527 : i32
    %sign3A_529 = arith.constant 0 : i32
    %sign3A_530 = arith.cmpi sgt, %select_n3A_510, %sign3A_529 : i32
    %sign3A_531 = arith.extui %sign3A_530 : i1 to i32
    %sign3A_532 = arith.constant 0 : i32
    %sign3A_533 = arith.cmpi slt, %select_n3A_510, %sign3A_532 : i32
    %sign3A_534 = arith.extui %sign3A_533 : i1 to i32
    %sign3A_535 = arith.subi %sign3A_531, %sign3A_534 : i32
    %sign3A_536 = arith.constant 0 : i32
    %sign3A_537 = arith.cmpi sgt, %jit3A_527, %sign3A_536 : i32
    %sign3A_538 = arith.extui %sign3A_537 : i1 to i32
    %sign3A_539 = arith.constant 0 : i32
    %sign3A_540 = arith.cmpi slt, %jit3A_527, %sign3A_539 : i32
    %sign3A_541 = arith.extui %sign3A_540 : i1 to i32
    %sign3A_542 = arith.subi %sign3A_538, %sign3A_541 : i32
    %ne3A_543 = arith.cmpi ne, %sign3A_535, %sign3A_542 : i32
    %rem3A_544 = arith.remsi %select_n3A_510, %jit3A_527 : i32
    %ne3A_545 = arith.constant 0 : i32
    %ne3A_546 = arith.cmpi ne, %rem3A_544, %ne3A_545 : i32
    %and3A_547 = arith.andi %ne3A_543, %ne3A_546 : i1
    %sub3A_548 = arith.constant 1 : i32
    %sub3A_549 = arith.subi %div3A_528, %sub3A_548 : i32
    %select_n3A_550 = arith.select %and3A_547, %sub3A_549, %div3A_528 : i32
    %jit3A_551 = arith.constant 8 : i32
    %eq3A_552 = arith.constant 0 : i32
    %eq3A_553 = arith.cmpi eq, %jit3A_551, %eq3A_552 : i32
    %jit3A_554 = arith.constant 1 : i32
    %select_n3A_555 = arith.select %eq3A_553, %jit3A_554, %jit3A_551 : i32
    %rem3A_556 = arith.remsi %select_n3A_510, %select_n3A_555 : i32
    %ne3A_557 = arith.constant 0 : i32
    %ne3A_558 = arith.cmpi ne, %rem3A_556, %ne3A_557 : i32
    %lt3A_559 = arith.constant 0 : i32
    %lt3A_560 = arith.cmpi slt, %rem3A_556, %lt3A_559 : i32
    %lt3A_561 = arith.constant 0 : i32
    %lt3A_562 = arith.cmpi slt, %select_n3A_555, %lt3A_561 : i32
    %ne3A_563 = arith.xori %lt3A_560, %lt3A_562 : i1
    %and3A_564 = arith.andi %ne3A_563, %ne3A_558 : i1
    %add3A_565 = arith.addi %rem3A_556, %select_n3A_555 : i32
    %select_n3A_566 = arith.select %and3A_564, %add3A_565, %rem3A_556 : i32
    %mul3A_567 = arith.constant 31 : i32
    %mul3A_568 = arith.muli %select_n3A_566, %mul3A_567 : i32
    %jit3A_569 = arith.constant 7 : i32
    %div3A_570 = arith.divsi %mul3A_568, %jit3A_569 : i32
    %sign3A_571 = arith.constant 0 : i32
    %sign3A_572 = arith.cmpi sgt, %mul3A_568, %sign3A_571 : i32
    %sign3A_573 = arith.extui %sign3A_572 : i1 to i32
    %sign3A_574 = arith.constant 0 : i32
    %sign3A_575 = arith.cmpi slt, %mul3A_568, %sign3A_574 : i32
    %sign3A_576 = arith.extui %sign3A_575 : i1 to i32
    %sign3A_577 = arith.subi %sign3A_573, %sign3A_576 : i32
    %sign3A_578 = arith.constant 0 : i32
    %sign3A_579 = arith.cmpi sgt, %jit3A_569, %sign3A_578 : i32
    %sign3A_580 = arith.extui %sign3A_579 : i1 to i32
    %sign3A_581 = arith.constant 0 : i32
    %sign3A_582 = arith.cmpi slt, %jit3A_569, %sign3A_581 : i32
    %sign3A_583 = arith.extui %sign3A_582 : i1 to i32
    %sign3A_584 = arith.subi %sign3A_580, %sign3A_583 : i32
    %ne3A_585 = arith.cmpi ne, %sign3A_577, %sign3A_584 : i32
    %rem3A_586 = arith.remsi %mul3A_568, %jit3A_569 : i32
    %ne3A_587 = arith.constant 0 : i32
    %ne3A_588 = arith.cmpi ne, %rem3A_586, %ne3A_587 : i32
    %and3A_589 = arith.andi %ne3A_585, %ne3A_588 : i1
    %sub3A_590 = arith.constant 1 : i32
    %sub3A_591 = arith.subi %div3A_570, %sub3A_590 : i32
    %select_n3A_592 = arith.select %and3A_589, %sub3A_591, %div3A_570 : i32
    %mul3A_593 = arith.constant 56 : i32
    %mul3A_594 = arith.muli %select_n3A_526, %mul3A_593 : i32
    %dma_start3A_595 = arith.constant 224 : i32
    %dma_start3A_596 = arith.constant 0 : i32
    %dma_start3A_597 = tpu.memref_slice %arg4[%dma_start3A_595, %dma_start3A_596] : memref<336x224xf32, #tpu.memory_space<vmem>> -> memref<56x224xf32, #tpu.memory_space<vmem>>
    %dma_start3A_598 = arith.constant 0 : i32
    %dma_start3A_599 = tpu.memref_slice %arg2[%select_n3A_550, %select_n3A_592, %mul3A_594, %dma_start3A_598] : memref<3x32x224x224xf32, #tpu.memory_space<hbm>> -> memref<1x1x56x224xf32, #tpu.memory_space<hbm>>
    %dma_start3A_600 = tpu.memref_squeeze %dma_start3A_599 : memref<1x1x56x224xf32, #tpu.memory_space<hbm>> -> memref<56x224xf32, #tpu.memory_space<hbm>>
    %dma_start3A_601 = arith.constant 224 : i32
    %dma_start3A_602 = arith.constant 0 : i32
    %dma_start3A_603 = tpu.memref_slice %arg4[%dma_start3A_601, %dma_start3A_602] : memref<336x224xf32, #tpu.memory_space<vmem>> -> memref<56x224xf32, #tpu.memory_space<vmem>>
    %dma_start3A_604 = arith.constant 0 : i32
    %dma_start3A_605 = tpu.memref_slice %arg2[%select_n3A_550, %select_n3A_592, %mul3A_594, %dma_start3A_604] : memref<3x32x224x224xf32, #tpu.memory_space<hbm>> -> memref<1x1x56x224xf32, #tpu.memory_space<hbm>>
    %dma_start3A_606 = tpu.memref_squeeze %dma_start3A_605 : memref<1x1x56x224xf32, #tpu.memory_space<hbm>> -> memref<56x224xf32, #tpu.memory_space<hbm>>
    tpu.enqueue_dma source(%dma_start3A_606 : memref<56x224xf32, #tpu.memory_space<hbm>>) target(%dma_start3A_603 : memref<56x224xf32, #tpu.memory_space<vmem>>) target_semaphore(%arg9 : memref<!tpu.dma_semaphore, #tpu.memory_space<semaphore_mem>>)
    %mul3A_607 = arith.constant 6 : i32
    %mul3A_608 = arith.muli %mul3A_607, %arg1 : i32
    %add3A_609 = arith.constant 5 : i32
    %add3A_610 = arith.addi %mul3A_608, %add3A_609 : i32
    %jit3A_611 = arith.constant 4 : i32
    %div3A_612 = arith.divsi %add3A_610, %jit3A_611 : i32
    %sign3A_613 = arith.constant 0 : i32
    %sign3A_614 = arith.cmpi sgt, %add3A_610, %sign3A_613 : i32
    %sign3A_615 = arith.extui %sign3A_614 : i1 to i32
    %sign3A_616 = arith.constant 0 : i32
    %sign3A_617 = arith.cmpi slt, %add3A_610, %sign3A_616 : i32
    %sign3A_618 = arith.extui %sign3A_617 : i1 to i32
    %sign3A_619 = arith.subi %sign3A_615, %sign3A_618 : i32
    %sign3A_620 = arith.constant 0 : i32
    %sign3A_621 = arith.cmpi sgt, %jit3A_611, %sign3A_620 : i32
    %sign3A_622 = arith.extui %sign3A_621 : i1 to i32
    %sign3A_623 = arith.constant 0 : i32
    %sign3A_624 = arith.cmpi slt, %jit3A_611, %sign3A_623 : i32
    %sign3A_625 = arith.extui %sign3A_624 : i1 to i32
    %sign3A_626 = arith.subi %sign3A_622, %sign3A_625 : i32
    %ne3A_627 = arith.cmpi ne, %sign3A_619, %sign3A_626 : i32
    %rem3A_628 = arith.remsi %add3A_610, %jit3A_611 : i32
    %ne3A_629 = arith.constant 0 : i32
    %ne3A_630 = arith.cmpi ne, %rem3A_628, %ne3A_629 : i32
    %and3A_631 = arith.andi %ne3A_627, %ne3A_630 : i1
    %sub3A_632 = arith.constant 1 : i32
    %sub3A_633 = arith.subi %div3A_612, %sub3A_632 : i32
    %select_n3A_634 = arith.select %and3A_631, %sub3A_633, %div3A_612 : i32
    %jit3A_635 = arith.constant 4 : i32
    %eq3A_636 = arith.constant 0 : i32
    %eq3A_637 = arith.cmpi eq, %jit3A_635, %eq3A_636 : i32
    %jit3A_638 = arith.constant 1 : i32
    %select_n3A_639 = arith.select %eq3A_637, %jit3A_638, %jit3A_635 : i32
    %rem3A_640 = arith.remsi %add3A_610, %select_n3A_639 : i32
    %ne3A_641 = arith.constant 0 : i32
    %ne3A_642 = arith.cmpi ne, %rem3A_640, %ne3A_641 : i32
    %lt3A_643 = arith.constant 0 : i32
    %lt3A_644 = arith.cmpi slt, %rem3A_640, %lt3A_643 : i32
    %lt3A_645 = arith.constant 0 : i32
    %lt3A_646 = arith.cmpi slt, %select_n3A_639, %lt3A_645 : i32
    %ne3A_647 = arith.xori %lt3A_644, %lt3A_646 : i1
    %and3A_648 = arith.andi %ne3A_647, %ne3A_642 : i1
    %add3A_649 = arith.addi %rem3A_640, %select_n3A_639 : i32
    %select_n3A_650 = arith.select %and3A_648, %add3A_649, %rem3A_640 : i32
    %jit3A_651 = arith.constant 8 : i32
    %div3A_652 = arith.divsi %select_n3A_634, %jit3A_651 : i32
    %sign3A_653 = arith.constant 0 : i32
    %sign3A_654 = arith.cmpi sgt, %select_n3A_634, %sign3A_653 : i32
    %sign3A_655 = arith.extui %sign3A_654 : i1 to i32
    %sign3A_656 = arith.constant 0 : i32
    %sign3A_657 = arith.cmpi slt, %select_n3A_634, %sign3A_656 : i32
    %sign3A_658 = arith.extui %sign3A_657 : i1 to i32
    %sign3A_659 = arith.subi %sign3A_655, %sign3A_658 : i32
    %sign3A_660 = arith.constant 0 : i32
    %sign3A_661 = arith.cmpi sgt, %jit3A_651, %sign3A_660 : i32
    %sign3A_662 = arith.extui %sign3A_661 : i1 to i32
    %sign3A_663 = arith.constant 0 : i32
    %sign3A_664 = arith.cmpi slt, %jit3A_651, %sign3A_663 : i32
    %sign3A_665 = arith.extui %sign3A_664 : i1 to i32
    %sign3A_666 = arith.subi %sign3A_662, %sign3A_665 : i32
    %ne3A_667 = arith.cmpi ne, %sign3A_659, %sign3A_666 : i32
    %rem3A_668 = arith.remsi %select_n3A_634, %jit3A_651 : i32
    %ne3A_669 = arith.constant 0 : i32
    %ne3A_670 = arith.cmpi ne, %rem3A_668, %ne3A_669 : i32
    %and3A_671 = arith.andi %ne3A_667, %ne3A_670 : i1
    %sub3A_672 = arith.constant 1 : i32
    %sub3A_673 = arith.subi %div3A_652, %sub3A_672 : i32
    %select_n3A_674 = arith.select %and3A_671, %sub3A_673, %div3A_652 : i32
    %jit3A_675 = arith.constant 8 : i32
    %eq3A_676 = arith.constant 0 : i32
    %eq3A_677 = arith.cmpi eq, %jit3A_675, %eq3A_676 : i32
    %jit3A_678 = arith.constant 1 : i32
    %select_n3A_679 = arith.select %eq3A_677, %jit3A_678, %jit3A_675 : i32
    %rem3A_680 = arith.remsi %select_n3A_634, %select_n3A_679 : i32
    %ne3A_681 = arith.constant 0 : i32
    %ne3A_682 = arith.cmpi ne, %rem3A_680, %ne3A_681 : i32
    %lt3A_683 = arith.constant 0 : i32
    %lt3A_684 = arith.cmpi slt, %rem3A_680, %lt3A_683 : i32
    %lt3A_685 = arith.constant 0 : i32
    %lt3A_686 = arith.cmpi slt, %select_n3A_679, %lt3A_685 : i32
    %ne3A_687 = arith.xori %lt3A_684, %lt3A_686 : i1
    %and3A_688 = arith.andi %ne3A_687, %ne3A_682 : i1
    %add3A_689 = arith.addi %rem3A_680, %select_n3A_679 : i32
    %select_n3A_690 = arith.select %and3A_688, %add3A_689, %rem3A_680 : i32
    %mul3A_691 = arith.constant 31 : i32
    %mul3A_692 = arith.muli %select_n3A_690, %mul3A_691 : i32
    %jit3A_693 = arith.constant 7 : i32
    %div3A_694 = arith.divsi %mul3A_692, %jit3A_693 : i32
    %sign3A_695 = arith.constant 0 : i32
    %sign3A_696 = arith.cmpi sgt, %mul3A_692, %sign3A_695 : i32
    %sign3A_697 = arith.extui %sign3A_696 : i1 to i32
    %sign3A_698 = arith.constant 0 : i32
    %sign3A_699 = arith.cmpi slt, %mul3A_692, %sign3A_698 : i32
    %sign3A_700 = arith.extui %sign3A_699 : i1 to i32
    %sign3A_701 = arith.subi %sign3A_697, %sign3A_700 : i32
    %sign3A_702 = arith.constant 0 : i32
    %sign3A_703 = arith.cmpi sgt, %jit3A_693, %sign3A_702 : i32
    %sign3A_704 = arith.extui %sign3A_703 : i1 to i32
    %sign3A_705 = arith.constant 0 : i32
    %sign3A_706 = arith.cmpi slt, %jit3A_693, %sign3A_705 : i32
    %sign3A_707 = arith.extui %sign3A_706 : i1 to i32
    %sign3A_708 = arith.subi %sign3A_704, %sign3A_707 : i32
    %ne3A_709 = arith.cmpi ne, %sign3A_701, %sign3A_708 : i32
    %rem3A_710 = arith.remsi %mul3A_692, %jit3A_693 : i32
    %ne3A_711 = arith.constant 0 : i32
    %ne3A_712 = arith.cmpi ne, %rem3A_710, %ne3A_711 : i32
    %and3A_713 = arith.andi %ne3A_709, %ne3A_712 : i1
    %sub3A_714 = arith.constant 1 : i32
    %sub3A_715 = arith.subi %div3A_694, %sub3A_714 : i32
    %select_n3A_716 = arith.select %and3A_713, %sub3A_715, %div3A_694 : i32
    %mul3A_717 = arith.constant 56 : i32
    %mul3A_718 = arith.muli %select_n3A_650, %mul3A_717 : i32
    %dma_start3A_719 = arith.constant 280 : i32
    %dma_start3A_720 = arith.constant 0 : i32
    %dma_start3A_721 = tpu.memref_slice %arg4[%dma_start3A_719, %dma_start3A_720] : memref<336x224xf32, #tpu.memory_space<vmem>> -> memref<56x224xf32, #tpu.memory_space<vmem>>
    %dma_start3A_722 = arith.constant 0 : i32
    %dma_start3A_723 = tpu.memref_slice %arg2[%select_n3A_674, %select_n3A_716, %mul3A_718, %dma_start3A_722] : memref<3x32x224x224xf32, #tpu.memory_space<hbm>> -> memref<1x1x56x224xf32, #tpu.memory_space<hbm>>
    %dma_start3A_724 = tpu.memref_squeeze %dma_start3A_723 : memref<1x1x56x224xf32, #tpu.memory_space<hbm>> -> memref<56x224xf32, #tpu.memory_space<hbm>>
    %dma_start3A_725 = arith.constant 280 : i32
    %dma_start3A_726 = arith.constant 0 : i32
    %dma_start3A_727 = tpu.memref_slice %arg4[%dma_start3A_725, %dma_start3A_726] : memref<336x224xf32, #tpu.memory_space<vmem>> -> memref<56x224xf32, #tpu.memory_space<vmem>>
    %dma_start3A_728 = arith.constant 0 : i32
    %dma_start3A_729 = tpu.memref_slice %arg2[%select_n3A_674, %select_n3A_716, %mul3A_718, %dma_start3A_728] : memref<3x32x224x224xf32, #tpu.memory_space<hbm>> -> memref<1x1x56x224xf32, #tpu.memory_space<hbm>>
    %dma_start3A_730 = tpu.memref_squeeze %dma_start3A_729 : memref<1x1x56x224xf32, #tpu.memory_space<hbm>> -> memref<56x224xf32, #tpu.memory_space<hbm>>
    tpu.enqueue_dma source(%dma_start3A_730 : memref<56x224xf32, #tpu.memory_space<hbm>>) target(%dma_start3A_727 : memref<56x224xf32, #tpu.memory_space<vmem>>) target_semaphore(%arg10 : memref<!tpu.dma_semaphore, #tpu.memory_space<semaphore_mem>>)
    %dma_wait3A = arith.constant 0 : i32
    %dma_wait3A_731 = arith.constant 0 : i32
    %dma_wait3A_732 = tpu.memref_slice %arg4[%dma_wait3A, %dma_wait3A_731] : memref<336x224xf32, #tpu.memory_space<vmem>> -> memref<56x224xf32, #tpu.memory_space<vmem>>
    %dma_wait3A_733 = arith.constant 0 : i32
    %dma_wait3A_734 = tpu.memref_slice %arg2[%select_n3A_55, %select_n3A_97, %mul3A_99, %dma_wait3A_733] : memref<3x32x224x224xf32, #tpu.memory_space<hbm>> -> memref<1x1x56x224xf32, #tpu.memory_space<hbm>>
    %dma_wait3A_735 = tpu.memref_squeeze %dma_wait3A_734 : memref<1x1x56x224xf32, #tpu.memory_space<hbm>> -> memref<56x224xf32, #tpu.memory_space<hbm>>
    %dma_wait3A_736 = arith.constant 0 : i32
    %dma_wait3A_737 = arith.constant 0 : i32
    %dma_wait3A_738 = tpu.memref_slice %arg4[%dma_wait3A_736, %dma_wait3A_737] : memref<336x224xf32, #tpu.memory_space<vmem>> -> memref<56x224xf32, #tpu.memory_space<vmem>>
    %dma_wait3A_739 = arith.constant 0 : i32
    %dma_wait3A_740 = tpu.memref_slice %arg2[%select_n3A_55, %select_n3A_97, %mul3A_99, %dma_wait3A_739] : memref<3x32x224x224xf32, #tpu.memory_space<hbm>> -> memref<1x1x56x224xf32, #tpu.memory_space<hbm>>
    %dma_wait3A_741 = tpu.memref_squeeze %dma_wait3A_740 : memref<1x1x56x224xf32, #tpu.memory_space<hbm>> -> memref<56x224xf32, #tpu.memory_space<hbm>>
    tpu.wait_dma2 semaphore(%arg5 : memref<!tpu.dma_semaphore, #tpu.memory_space<semaphore_mem>>) src(%dma_wait3A_741 : memref<56x224xf32, #tpu.memory_space<hbm>>) dst(%dma_wait3A_738 : memref<56x224xf32, #tpu.memory_space<vmem>>)
    %mul3A_742 = arith.constant 6 : i32
    %mul3A_743 = arith.muli %mul3A_742, %arg1 : i32
    %add3A_744 = arith.constant 0 : i32
    %add3A_745 = arith.addi %mul3A_743, %add3A_744 : i32
    %jit3A_746 = arith.constant 4 : i32
    %div3A_747 = arith.divsi %add3A_745, %jit3A_746 : i32
    %sign3A_748 = arith.constant 0 : i32
    %sign3A_749 = arith.cmpi sgt, %add3A_745, %sign3A_748 : i32
    %sign3A_750 = arith.extui %sign3A_749 : i1 to i32
    %sign3A_751 = arith.constant 0 : i32
    %sign3A_752 = arith.cmpi slt, %add3A_745, %sign3A_751 : i32
    %sign3A_753 = arith.extui %sign3A_752 : i1 to i32
    %sign3A_754 = arith.subi %sign3A_750, %sign3A_753 : i32
    %sign3A_755 = arith.constant 0 : i32
    %sign3A_756 = arith.cmpi sgt, %jit3A_746, %sign3A_755 : i32
    %sign3A_757 = arith.extui %sign3A_756 : i1 to i32
    %sign3A_758 = arith.constant 0 : i32
    %sign3A_759 = arith.cmpi slt, %jit3A_746, %sign3A_758 : i32
    %sign3A_760 = arith.extui %sign3A_759 : i1 to i32
    %sign3A_761 = arith.subi %sign3A_757, %sign3A_760 : i32
    %ne3A_762 = arith.cmpi ne, %sign3A_754, %sign3A_761 : i32
    %rem3A_763 = arith.remsi %add3A_745, %jit3A_746 : i32
    %ne3A_764 = arith.constant 0 : i32
    %ne3A_765 = arith.cmpi ne, %rem3A_763, %ne3A_764 : i32
    %and3A_766 = arith.andi %ne3A_762, %ne3A_765 : i1
    %sub3A_767 = arith.constant 1 : i32
    %sub3A_768 = arith.subi %div3A_747, %sub3A_767 : i32
    %select_n3A_769 = arith.select %and3A_766, %sub3A_768, %div3A_747 : i32
    %jit3A_770 = arith.constant 4 : i32
    %eq3A_771 = arith.constant 0 : i32
    %eq3A_772 = arith.cmpi eq, %jit3A_770, %eq3A_771 : i32
    %jit3A_773 = arith.constant 1 : i32
    %select_n3A_774 = arith.select %eq3A_772, %jit3A_773, %jit3A_770 : i32
    %rem3A_775 = arith.remsi %add3A_745, %select_n3A_774 : i32
    %ne3A_776 = arith.constant 0 : i32
    %ne3A_777 = arith.cmpi ne, %rem3A_775, %ne3A_776 : i32
    %lt3A_778 = arith.constant 0 : i32
    %lt3A_779 = arith.cmpi slt, %rem3A_775, %lt3A_778 : i32
    %lt3A_780 = arith.constant 0 : i32
    %lt3A_781 = arith.cmpi slt, %select_n3A_774, %lt3A_780 : i32
    %ne3A_782 = arith.xori %lt3A_779, %lt3A_781 : i1
    %and3A_783 = arith.andi %ne3A_782, %ne3A_777 : i1
    %add3A_784 = arith.addi %rem3A_775, %select_n3A_774 : i32
    %select_n3A_785 = arith.select %and3A_783, %add3A_784, %rem3A_775 : i32
    %jit3A_786 = arith.constant 8 : i32
    %div3A_787 = arith.divsi %select_n3A_769, %jit3A_786 : i32
    %sign3A_788 = arith.constant 0 : i32
    %sign3A_789 = arith.cmpi sgt, %select_n3A_769, %sign3A_788 : i32
    %sign3A_790 = arith.extui %sign3A_789 : i1 to i32
    %sign3A_791 = arith.constant 0 : i32
    %sign3A_792 = arith.cmpi slt, %select_n3A_769, %sign3A_791 : i32
    %sign3A_793 = arith.extui %sign3A_792 : i1 to i32
    %sign3A_794 = arith.subi %sign3A_790, %sign3A_793 : i32
    %sign3A_795 = arith.constant 0 : i32
    %sign3A_796 = arith.cmpi sgt, %jit3A_786, %sign3A_795 : i32
    %sign3A_797 = arith.extui %sign3A_796 : i1 to i32
    %sign3A_798 = arith.constant 0 : i32
    %sign3A_799 = arith.cmpi slt, %jit3A_786, %sign3A_798 : i32
    %sign3A_800 = arith.extui %sign3A_799 : i1 to i32
    %sign3A_801 = arith.subi %sign3A_797, %sign3A_800 : i32
    %ne3A_802 = arith.cmpi ne, %sign3A_794, %sign3A_801 : i32
    %rem3A_803 = arith.remsi %select_n3A_769, %jit3A_786 : i32
    %ne3A_804 = arith.constant 0 : i32
    %ne3A_805 = arith.cmpi ne, %rem3A_803, %ne3A_804 : i32
    %and3A_806 = arith.andi %ne3A_802, %ne3A_805 : i1
    %sub3A_807 = arith.constant 1 : i32
    %sub3A_808 = arith.subi %div3A_787, %sub3A_807 : i32
    %select_n3A_809 = arith.select %and3A_806, %sub3A_808, %div3A_787 : i32
    %jit3A_810 = arith.constant 8 : i32
    %eq3A_811 = arith.constant 0 : i32
    %eq3A_812 = arith.cmpi eq, %jit3A_810, %eq3A_811 : i32
    %jit3A_813 = arith.constant 1 : i32
    %select_n3A_814 = arith.select %eq3A_812, %jit3A_813, %jit3A_810 : i32
    %rem3A_815 = arith.remsi %select_n3A_769, %select_n3A_814 : i32
    %ne3A_816 = arith.constant 0 : i32
    %ne3A_817 = arith.cmpi ne, %rem3A_815, %ne3A_816 : i32
    %lt3A_818 = arith.constant 0 : i32
    %lt3A_819 = arith.cmpi slt, %rem3A_815, %lt3A_818 : i32
    %lt3A_820 = arith.constant 0 : i32
    %lt3A_821 = arith.cmpi slt, %select_n3A_814, %lt3A_820 : i32
    %ne3A_822 = arith.xori %lt3A_819, %lt3A_821 : i1
    %and3A_823 = arith.andi %ne3A_822, %ne3A_817 : i1
    %add3A_824 = arith.addi %rem3A_815, %select_n3A_814 : i32
    %select_n3A_825 = arith.select %and3A_823, %add3A_824, %rem3A_815 : i32
    %mul3A_826 = arith.constant 31 : i32
    %mul3A_827 = arith.muli %select_n3A_825, %mul3A_826 : i32
    %jit3A_828 = arith.constant 7 : i32
    %div3A_829 = arith.divsi %mul3A_827, %jit3A_828 : i32
    %sign3A_830 = arith.constant 0 : i32
    %sign3A_831 = arith.cmpi sgt, %mul3A_827, %sign3A_830 : i32
    %sign3A_832 = arith.extui %sign3A_831 : i1 to i32
    %sign3A_833 = arith.constant 0 : i32
    %sign3A_834 = arith.cmpi slt, %mul3A_827, %sign3A_833 : i32
    %sign3A_835 = arith.extui %sign3A_834 : i1 to i32
    %sign3A_836 = arith.subi %sign3A_832, %sign3A_835 : i32
    %sign3A_837 = arith.constant 0 : i32
    %sign3A_838 = arith.cmpi sgt, %jit3A_828, %sign3A_837 : i32
    %sign3A_839 = arith.extui %sign3A_838 : i1 to i32
    %sign3A_840 = arith.constant 0 : i32
    %sign3A_841 = arith.cmpi slt, %jit3A_828, %sign3A_840 : i32
    %sign3A_842 = arith.extui %sign3A_841 : i1 to i32
    %sign3A_843 = arith.subi %sign3A_839, %sign3A_842 : i32
    %ne3A_844 = arith.cmpi ne, %sign3A_836, %sign3A_843 : i32
    %rem3A_845 = arith.remsi %mul3A_827, %jit3A_828 : i32
    %ne3A_846 = arith.constant 0 : i32
    %ne3A_847 = arith.cmpi ne, %rem3A_845, %ne3A_846 : i32
    %and3A_848 = arith.andi %ne3A_844, %ne3A_847 : i1
    %sub3A_849 = arith.constant 1 : i32
    %sub3A_850 = arith.subi %div3A_829, %sub3A_849 : i32
    %select_n3A_851 = arith.select %and3A_848, %sub3A_850, %div3A_829 : i32
    %mul3A_852 = arith.constant 56 : i32
    %mul3A_853 = arith.muli %select_n3A_785, %mul3A_852 : i32
    %dma_start3A_854 = arith.constant 0 : i32
    %dma_start3A_855 = arith.constant 0 : i32
    %dma_start3A_856 = tpu.memref_slice %arg4[%dma_start3A_854, %dma_start3A_855] : memref<336x224xf32, #tpu.memory_space<vmem>> -> memref<56x224xf32, #tpu.memory_space<vmem>>
    %dma_start3A_857 = arith.constant 0 : i32
    %dma_start3A_858 = tpu.memref_slice %arg3[%select_n3A_809, %select_n3A_825, %mul3A_853, %dma_start3A_857] : memref<3x8x224x224xf32, #tpu.memory_space<hbm>> -> memref<1x1x56x224xf32, #tpu.memory_space<hbm>>
    %dma_start3A_859 = tpu.memref_squeeze %dma_start3A_858 : memref<1x1x56x224xf32, #tpu.memory_space<hbm>> -> memref<56x224xf32, #tpu.memory_space<hbm>>
    %dma_start3A_860 = arith.constant 0 : i32
    %dma_start3A_861 = tpu.memref_slice %arg3[%select_n3A_809, %select_n3A_825, %mul3A_853, %dma_start3A_860] : memref<3x8x224x224xf32, #tpu.memory_space<hbm>> -> memref<1x1x56x224xf32, #tpu.memory_space<hbm>>
    %dma_start3A_862 = tpu.memref_squeeze %dma_start3A_861 : memref<1x1x56x224xf32, #tpu.memory_space<hbm>> -> memref<56x224xf32, #tpu.memory_space<hbm>>
    %dma_start3A_863 = arith.constant 0 : i32
    %dma_start3A_864 = arith.constant 0 : i32
    %dma_start3A_865 = tpu.memref_slice %arg4[%dma_start3A_863, %dma_start3A_864] : memref<336x224xf32, #tpu.memory_space<vmem>> -> memref<56x224xf32, #tpu.memory_space<vmem>>
    tpu.enqueue_dma source(%dma_start3A_865 : memref<56x224xf32, #tpu.memory_space<vmem>>) target(%dma_start3A_862 : memref<56x224xf32, #tpu.memory_space<hbm>>) target_semaphore(%arg11 : memref<!tpu.dma_semaphore, #tpu.memory_space<semaphore_mem>>)
    %dma_wait3A_866 = arith.constant 56 : i32
    %dma_wait3A_867 = arith.constant 0 : i32
    %dma_wait3A_868 = tpu.memref_slice %arg4[%dma_wait3A_866, %dma_wait3A_867] : memref<336x224xf32, #tpu.memory_space<vmem>> -> memref<56x224xf32, #tpu.memory_space<vmem>>
    %dma_wait3A_869 = arith.constant 0 : i32
    %dma_wait3A_870 = tpu.memref_slice %arg2[%select_n3A_178, %select_n3A_220, %mul3A_222, %dma_wait3A_869] : memref<3x32x224x224xf32, #tpu.memory_space<hbm>> -> memref<1x1x56x224xf32, #tpu.memory_space<hbm>>
    %dma_wait3A_871 = tpu.memref_squeeze %dma_wait3A_870 : memref<1x1x56x224xf32, #tpu.memory_space<hbm>> -> memref<56x224xf32, #tpu.memory_space<hbm>>
    %dma_wait3A_872 = arith.constant 56 : i32
    %dma_wait3A_873 = arith.constant 0 : i32
    %dma_wait3A_874 = tpu.memref_slice %arg4[%dma_wait3A_872, %dma_wait3A_873] : memref<336x224xf32, #tpu.memory_space<vmem>> -> memref<56x224xf32, #tpu.memory_space<vmem>>
    %dma_wait3A_875 = arith.constant 0 : i32
    %dma_wait3A_876 = tpu.memref_slice %arg2[%select_n3A_178, %select_n3A_220, %mul3A_222, %dma_wait3A_875] : memref<3x32x224x224xf32, #tpu.memory_space<hbm>> -> memref<1x1x56x224xf32, #tpu.memory_space<hbm>>
    %dma_wait3A_877 = tpu.memref_squeeze %dma_wait3A_876 : memref<1x1x56x224xf32, #tpu.memory_space<hbm>> -> memref<56x224xf32, #tpu.memory_space<hbm>>
    tpu.wait_dma2 semaphore(%arg6 : memref<!tpu.dma_semaphore, #tpu.memory_space<semaphore_mem>>) src(%dma_wait3A_877 : memref<56x224xf32, #tpu.memory_space<hbm>>) dst(%dma_wait3A_874 : memref<56x224xf32, #tpu.memory_space<vmem>>)
    %mul3A_878 = arith.constant 6 : i32
    %mul3A_879 = arith.muli %mul3A_878, %arg1 : i32
    %add3A_880 = arith.constant 1 : i32
    %add3A_881 = arith.addi %mul3A_879, %add3A_880 : i32
    %jit3A_882 = arith.constant 4 : i32
    %div3A_883 = arith.divsi %add3A_881, %jit3A_882 : i32
    %sign3A_884 = arith.constant 0 : i32
    %sign3A_885 = arith.cmpi sgt, %add3A_881, %sign3A_884 : i32
    %sign3A_886 = arith.extui %sign3A_885 : i1 to i32
    %sign3A_887 = arith.constant 0 : i32
    %sign3A_888 = arith.cmpi slt, %add3A_881, %sign3A_887 : i32
    %sign3A_889 = arith.extui %sign3A_888 : i1 to i32
    %sign3A_890 = arith.subi %sign3A_886, %sign3A_889 : i32
    %sign3A_891 = arith.constant 0 : i32
    %sign3A_892 = arith.cmpi sgt, %jit3A_882, %sign3A_891 : i32
    %sign3A_893 = arith.extui %sign3A_892 : i1 to i32
    %sign3A_894 = arith.constant 0 : i32
    %sign3A_895 = arith.cmpi slt, %jit3A_882, %sign3A_894 : i32
    %sign3A_896 = arith.extui %sign3A_895 : i1 to i32
    %sign3A_897 = arith.subi %sign3A_893, %sign3A_896 : i32
    %ne3A_898 = arith.cmpi ne, %sign3A_890, %sign3A_897 : i32
    %rem3A_899 = arith.remsi %add3A_881, %jit3A_882 : i32
    %ne3A_900 = arith.constant 0 : i32
    %ne3A_901 = arith.cmpi ne, %rem3A_899, %ne3A_900 : i32
    %and3A_902 = arith.andi %ne3A_898, %ne3A_901 : i1
    %sub3A_903 = arith.constant 1 : i32
    %sub3A_904 = arith.subi %div3A_883, %sub3A_903 : i32
    %select_n3A_905 = arith.select %and3A_902, %sub3A_904, %div3A_883 : i32
    %jit3A_906 = arith.constant 4 : i32
    %eq3A_907 = arith.constant 0 : i32
    %eq3A_908 = arith.cmpi eq, %jit3A_906, %eq3A_907 : i32
    %jit3A_909 = arith.constant 1 : i32
    %select_n3A_910 = arith.select %eq3A_908, %jit3A_909, %jit3A_906 : i32
    %rem3A_911 = arith.remsi %add3A_881, %select_n3A_910 : i32
    %ne3A_912 = arith.constant 0 : i32
    %ne3A_913 = arith.cmpi ne, %rem3A_911, %ne3A_912 : i32
    %lt3A_914 = arith.constant 0 : i32
    %lt3A_915 = arith.cmpi slt, %rem3A_911, %lt3A_914 : i32
    %lt3A_916 = arith.constant 0 : i32
    %lt3A_917 = arith.cmpi slt, %select_n3A_910, %lt3A_916 : i32
    %ne3A_918 = arith.xori %lt3A_915, %lt3A_917 : i1
    %and3A_919 = arith.andi %ne3A_918, %ne3A_913 : i1
    %add3A_920 = arith.addi %rem3A_911, %select_n3A_910 : i32
    %select_n3A_921 = arith.select %and3A_919, %add3A_920, %rem3A_911 : i32
    %jit3A_922 = arith.constant 8 : i32
    %div3A_923 = arith.divsi %select_n3A_905, %jit3A_922 : i32
    %sign3A_924 = arith.constant 0 : i32
    %sign3A_925 = arith.cmpi sgt, %select_n3A_905, %sign3A_924 : i32
    %sign3A_926 = arith.extui %sign3A_925 : i1 to i32
    %sign3A_927 = arith.constant 0 : i32
    %sign3A_928 = arith.cmpi slt, %select_n3A_905, %sign3A_927 : i32
    %sign3A_929 = arith.extui %sign3A_928 : i1 to i32
    %sign3A_930 = arith.subi %sign3A_926, %sign3A_929 : i32
    %sign3A_931 = arith.constant 0 : i32
    %sign3A_932 = arith.cmpi sgt, %jit3A_922, %sign3A_931 : i32
    %sign3A_933 = arith.extui %sign3A_932 : i1 to i32
    %sign3A_934 = arith.constant 0 : i32
    %sign3A_935 = arith.cmpi slt, %jit3A_922, %sign3A_934 : i32
    %sign3A_936 = arith.extui %sign3A_935 : i1 to i32
    %sign3A_937 = arith.subi %sign3A_933, %sign3A_936 : i32
    %ne3A_938 = arith.cmpi ne, %sign3A_930, %sign3A_937 : i32
    %rem3A_939 = arith.remsi %select_n3A_905, %jit3A_922 : i32
    %ne3A_940 = arith.constant 0 : i32
    %ne3A_941 = arith.cmpi ne, %rem3A_939, %ne3A_940 : i32
    %and3A_942 = arith.andi %ne3A_938, %ne3A_941 : i1
    %sub3A_943 = arith.constant 1 : i32
    %sub3A_944 = arith.subi %div3A_923, %sub3A_943 : i32
    %select_n3A_945 = arith.select %and3A_942, %sub3A_944, %div3A_923 : i32
    %jit3A_946 = arith.constant 8 : i32
    %eq3A_947 = arith.constant 0 : i32
    %eq3A_948 = arith.cmpi eq, %jit3A_946, %eq3A_947 : i32
    %jit3A_949 = arith.constant 1 : i32
    %select_n3A_950 = arith.select %eq3A_948, %jit3A_949, %jit3A_946 : i32
    %rem3A_951 = arith.remsi %select_n3A_905, %select_n3A_950 : i32
    %ne3A_952 = arith.constant 0 : i32
    %ne3A_953 = arith.cmpi ne, %rem3A_951, %ne3A_952 : i32
    %lt3A_954 = arith.constant 0 : i32
    %lt3A_955 = arith.cmpi slt, %rem3A_951, %lt3A_954 : i32
    %lt3A_956 = arith.constant 0 : i32
    %lt3A_957 = arith.cmpi slt, %select_n3A_950, %lt3A_956 : i32
    %ne3A_958 = arith.xori %lt3A_955, %lt3A_957 : i1
    %and3A_959 = arith.andi %ne3A_958, %ne3A_953 : i1
    %add3A_960 = arith.addi %rem3A_951, %select_n3A_950 : i32
    %select_n3A_961 = arith.select %and3A_959, %add3A_960, %rem3A_951 : i32
    %mul3A_962 = arith.constant 31 : i32
    %mul3A_963 = arith.muli %select_n3A_961, %mul3A_962 : i32
    %jit3A_964 = arith.constant 7 : i32
    %div3A_965 = arith.divsi %mul3A_963, %jit3A_964 : i32
    %sign3A_966 = arith.constant 0 : i32
    %sign3A_967 = arith.cmpi sgt, %mul3A_963, %sign3A_966 : i32
    %sign3A_968 = arith.extui %sign3A_967 : i1 to i32
    %sign3A_969 = arith.constant 0 : i32
    %sign3A_970 = arith.cmpi slt, %mul3A_963, %sign3A_969 : i32
    %sign3A_971 = arith.extui %sign3A_970 : i1 to i32
    %sign3A_972 = arith.subi %sign3A_968, %sign3A_971 : i32
    %sign3A_973 = arith.constant 0 : i32
    %sign3A_974 = arith.cmpi sgt, %jit3A_964, %sign3A_973 : i32
    %sign3A_975 = arith.extui %sign3A_974 : i1 to i32
    %sign3A_976 = arith.constant 0 : i32
    %sign3A_977 = arith.cmpi slt, %jit3A_964, %sign3A_976 : i32
    %sign3A_978 = arith.extui %sign3A_977 : i1 to i32
    %sign3A_979 = arith.subi %sign3A_975, %sign3A_978 : i32
    %ne3A_980 = arith.cmpi ne, %sign3A_972, %sign3A_979 : i32
    %rem3A_981 = arith.remsi %mul3A_963, %jit3A_964 : i32
    %ne3A_982 = arith.constant 0 : i32
    %ne3A_983 = arith.cmpi ne, %rem3A_981, %ne3A_982 : i32
    %and3A_984 = arith.andi %ne3A_980, %ne3A_983 : i1
    %sub3A_985 = arith.constant 1 : i32
    %sub3A_986 = arith.subi %div3A_965, %sub3A_985 : i32
    %select_n3A_987 = arith.select %and3A_984, %sub3A_986, %div3A_965 : i32
    %mul3A_988 = arith.constant 56 : i32
    %mul3A_989 = arith.muli %select_n3A_921, %mul3A_988 : i32
    %dma_start3A_990 = arith.constant 56 : i32
    %dma_start3A_991 = arith.constant 0 : i32
    %dma_start3A_992 = tpu.memref_slice %arg4[%dma_start3A_990, %dma_start3A_991] : memref<336x224xf32, #tpu.memory_space<vmem>> -> memref<56x224xf32, #tpu.memory_space<vmem>>
    %dma_start3A_993 = arith.constant 0 : i32
    %dma_start3A_994 = tpu.memref_slice %arg3[%select_n3A_945, %select_n3A_961, %mul3A_989, %dma_start3A_993] : memref<3x8x224x224xf32, #tpu.memory_space<hbm>> -> memref<1x1x56x224xf32, #tpu.memory_space<hbm>>
    %dma_start3A_995 = tpu.memref_squeeze %dma_start3A_994 : memref<1x1x56x224xf32, #tpu.memory_space<hbm>> -> memref<56x224xf32, #tpu.memory_space<hbm>>
    %dma_start3A_996 = arith.constant 0 : i32
    %dma_start3A_997 = tpu.memref_slice %arg3[%select_n3A_945, %select_n3A_961, %mul3A_989, %dma_start3A_996] : memref<3x8x224x224xf32, #tpu.memory_space<hbm>> -> memref<1x1x56x224xf32, #tpu.memory_space<hbm>>
    %dma_start3A_998 = tpu.memref_squeeze %dma_start3A_997 : memref<1x1x56x224xf32, #tpu.memory_space<hbm>> -> memref<56x224xf32, #tpu.memory_space<hbm>>
    %dma_start3A_999 = arith.constant 56 : i32
    %dma_start3A_1000 = arith.constant 0 : i32
    %dma_start3A_1001 = tpu.memref_slice %arg4[%dma_start3A_999, %dma_start3A_1000] : memref<336x224xf32, #tpu.memory_space<vmem>> -> memref<56x224xf32, #tpu.memory_space<vmem>>
    tpu.enqueue_dma source(%dma_start3A_1001 : memref<56x224xf32, #tpu.memory_space<vmem>>) target(%dma_start3A_998 : memref<56x224xf32, #tpu.memory_space<hbm>>) target_semaphore(%arg12 : memref<!tpu.dma_semaphore, #tpu.memory_space<semaphore_mem>>)
    %dma_wait3A_1002 = arith.constant 112 : i32
    %dma_wait3A_1003 = arith.constant 0 : i32
    %dma_wait3A_1004 = tpu.memref_slice %arg4[%dma_wait3A_1002, %dma_wait3A_1003] : memref<336x224xf32, #tpu.memory_space<vmem>> -> memref<56x224xf32, #tpu.memory_space<vmem>>
    %dma_wait3A_1005 = arith.constant 0 : i32
    %dma_wait3A_1006 = tpu.memref_slice %arg2[%select_n3A_302, %select_n3A_344, %mul3A_346, %dma_wait3A_1005] : memref<3x32x224x224xf32, #tpu.memory_space<hbm>> -> memref<1x1x56x224xf32, #tpu.memory_space<hbm>>
    %dma_wait3A_1007 = tpu.memref_squeeze %dma_wait3A_1006 : memref<1x1x56x224xf32, #tpu.memory_space<hbm>> -> memref<56x224xf32, #tpu.memory_space<hbm>>
    %dma_wait3A_1008 = arith.constant 112 : i32
    %dma_wait3A_1009 = arith.constant 0 : i32
    %dma_wait3A_1010 = tpu.memref_slice %arg4[%dma_wait3A_1008, %dma_wait3A_1009] : memref<336x224xf32, #tpu.memory_space<vmem>> -> memref<56x224xf32, #tpu.memory_space<vmem>>
    %dma_wait3A_1011 = arith.constant 0 : i32
    %dma_wait3A_1012 = tpu.memref_slice %arg2[%select_n3A_302, %select_n3A_344, %mul3A_346, %dma_wait3A_1011] : memref<3x32x224x224xf32, #tpu.memory_space<hbm>> -> memref<1x1x56x224xf32, #tpu.memory_space<hbm>>
    %dma_wait3A_1013 = tpu.memref_squeeze %dma_wait3A_1012 : memref<1x1x56x224xf32, #tpu.memory_space<hbm>> -> memref<56x224xf32, #tpu.memory_space<hbm>>
    tpu.wait_dma2 semaphore(%arg7 : memref<!tpu.dma_semaphore, #tpu.memory_space<semaphore_mem>>) src(%dma_wait3A_1013 : memref<56x224xf32, #tpu.memory_space<hbm>>) dst(%dma_wait3A_1010 : memref<56x224xf32, #tpu.memory_space<vmem>>)
    %mul3A_1014 = arith.constant 6 : i32
    %mul3A_1015 = arith.muli %mul3A_1014, %arg1 : i32
    %add3A_1016 = arith.constant 2 : i32
    %add3A_1017 = arith.addi %mul3A_1015, %add3A_1016 : i32
    %jit3A_1018 = arith.constant 4 : i32
    %div3A_1019 = arith.divsi %add3A_1017, %jit3A_1018 : i32
    %sign3A_1020 = arith.constant 0 : i32
    %sign3A_1021 = arith.cmpi sgt, %add3A_1017, %sign3A_1020 : i32
    %sign3A_1022 = arith.extui %sign3A_1021 : i1 to i32
    %sign3A_1023 = arith.constant 0 : i32
    %sign3A_1024 = arith.cmpi slt, %add3A_1017, %sign3A_1023 : i32
    %sign3A_1025 = arith.extui %sign3A_1024 : i1 to i32
    %sign3A_1026 = arith.subi %sign3A_1022, %sign3A_1025 : i32
    %sign3A_1027 = arith.constant 0 : i32
    %sign3A_1028 = arith.cmpi sgt, %jit3A_1018, %sign3A_1027 : i32
    %sign3A_1029 = arith.extui %sign3A_1028 : i1 to i32
    %sign3A_1030 = arith.constant 0 : i32
    %sign3A_1031 = arith.cmpi slt, %jit3A_1018, %sign3A_1030 : i32
    %sign3A_1032 = arith.extui %sign3A_1031 : i1 to i32
    %sign3A_1033 = arith.subi %sign3A_1029, %sign3A_1032 : i32
    %ne3A_1034 = arith.cmpi ne, %sign3A_1026, %sign3A_1033 : i32
    %rem3A_1035 = arith.remsi %add3A_1017, %jit3A_1018 : i32
    %ne3A_1036 = arith.constant 0 : i32
    %ne3A_1037 = arith.cmpi ne, %rem3A_1035, %ne3A_1036 : i32
    %and3A_1038 = arith.andi %ne3A_1034, %ne3A_1037 : i1
    %sub3A_1039 = arith.constant 1 : i32
    %sub3A_1040 = arith.subi %div3A_1019, %sub3A_1039 : i32
    %select_n3A_1041 = arith.select %and3A_1038, %sub3A_1040, %div3A_1019 : i32
    %jit3A_1042 = arith.constant 4 : i32
    %eq3A_1043 = arith.constant 0 : i32
    %eq3A_1044 = arith.cmpi eq, %jit3A_1042, %eq3A_1043 : i32
    %jit3A_1045 = arith.constant 1 : i32
    %select_n3A_1046 = arith.select %eq3A_1044, %jit3A_1045, %jit3A_1042 : i32
    %rem3A_1047 = arith.remsi %add3A_1017, %select_n3A_1046 : i32
    %ne3A_1048 = arith.constant 0 : i32
    %ne3A_1049 = arith.cmpi ne, %rem3A_1047, %ne3A_1048 : i32
    %lt3A_1050 = arith.constant 0 : i32
    %lt3A_1051 = arith.cmpi slt, %rem3A_1047, %lt3A_1050 : i32
    %lt3A_1052 = arith.constant 0 : i32
    %lt3A_1053 = arith.cmpi slt, %select_n3A_1046, %lt3A_1052 : i32
    %ne3A_1054 = arith.xori %lt3A_1051, %lt3A_1053 : i1
    %and3A_1055 = arith.andi %ne3A_1054, %ne3A_1049 : i1
    %add3A_1056 = arith.addi %rem3A_1047, %select_n3A_1046 : i32
    %select_n3A_1057 = arith.select %and3A_1055, %add3A_1056, %rem3A_1047 : i32
    %jit3A_1058 = arith.constant 8 : i32
    %div3A_1059 = arith.divsi %select_n3A_1041, %jit3A_1058 : i32
    %sign3A_1060 = arith.constant 0 : i32
    %sign3A_1061 = arith.cmpi sgt, %select_n3A_1041, %sign3A_1060 : i32
    %sign3A_1062 = arith.extui %sign3A_1061 : i1 to i32
    %sign3A_1063 = arith.constant 0 : i32
    %sign3A_1064 = arith.cmpi slt, %select_n3A_1041, %sign3A_1063 : i32
    %sign3A_1065 = arith.extui %sign3A_1064 : i1 to i32
    %sign3A_1066 = arith.subi %sign3A_1062, %sign3A_1065 : i32
    %sign3A_1067 = arith.constant 0 : i32
    %sign3A_1068 = arith.cmpi sgt, %jit3A_1058, %sign3A_1067 : i32
    %sign3A_1069 = arith.extui %sign3A_1068 : i1 to i32
    %sign3A_1070 = arith.constant 0 : i32
    %sign3A_1071 = arith.cmpi slt, %jit3A_1058, %sign3A_1070 : i32
    %sign3A_1072 = arith.extui %sign3A_1071 : i1 to i32
    %sign3A_1073 = arith.subi %sign3A_1069, %sign3A_1072 : i32
    %ne3A_1074 = arith.cmpi ne, %sign3A_1066, %sign3A_1073 : i32
    %rem3A_1075 = arith.remsi %select_n3A_1041, %jit3A_1058 : i32
    %ne3A_1076 = arith.constant 0 : i32
    %ne3A_1077 = arith.cmpi ne, %rem3A_1075, %ne3A_1076 : i32
    %and3A_1078 = arith.andi %ne3A_1074, %ne3A_1077 : i1
    %sub3A_1079 = arith.constant 1 : i32
    %sub3A_1080 = arith.subi %div3A_1059, %sub3A_1079 : i32
    %select_n3A_1081 = arith.select %and3A_1078, %sub3A_1080, %div3A_1059 : i32
    %jit3A_1082 = arith.constant 8 : i32
    %eq3A_1083 = arith.constant 0 : i32
    %eq3A_1084 = arith.cmpi eq, %jit3A_1082, %eq3A_1083 : i32
    %jit3A_1085 = arith.constant 1 : i32
    %select_n3A_1086 = arith.select %eq3A_1084, %jit3A_1085, %jit3A_1082 : i32
    %rem3A_1087 = arith.remsi %select_n3A_1041, %select_n3A_1086 : i32
    %ne3A_1088 = arith.constant 0 : i32
    %ne3A_1089 = arith.cmpi ne, %rem3A_1087, %ne3A_1088 : i32
    %lt3A_1090 = arith.constant 0 : i32
    %lt3A_1091 = arith.cmpi slt, %rem3A_1087, %lt3A_1090 : i32
    %lt3A_1092 = arith.constant 0 : i32
    %lt3A_1093 = arith.cmpi slt, %select_n3A_1086, %lt3A_1092 : i32
    %ne3A_1094 = arith.xori %lt3A_1091, %lt3A_1093 : i1
    %and3A_1095 = arith.andi %ne3A_1094, %ne3A_1089 : i1
    %add3A_1096 = arith.addi %rem3A_1087, %select_n3A_1086 : i32
    %select_n3A_1097 = arith.select %and3A_1095, %add3A_1096, %rem3A_1087 : i32
    %mul3A_1098 = arith.constant 31 : i32
    %mul3A_1099 = arith.muli %select_n3A_1097, %mul3A_1098 : i32
    %jit3A_1100 = arith.constant 7 : i32
    %div3A_1101 = arith.divsi %mul3A_1099, %jit3A_1100 : i32
    %sign3A_1102 = arith.constant 0 : i32
    %sign3A_1103 = arith.cmpi sgt, %mul3A_1099, %sign3A_1102 : i32
    %sign3A_1104 = arith.extui %sign3A_1103 : i1 to i32
    %sign3A_1105 = arith.constant 0 : i32
    %sign3A_1106 = arith.cmpi slt, %mul3A_1099, %sign3A_1105 : i32
    %sign3A_1107 = arith.extui %sign3A_1106 : i1 to i32
    %sign3A_1108 = arith.subi %sign3A_1104, %sign3A_1107 : i32
    %sign3A_1109 = arith.constant 0 : i32
    %sign3A_1110 = arith.cmpi sgt, %jit3A_1100, %sign3A_1109 : i32
    %sign3A_1111 = arith.extui %sign3A_1110 : i1 to i32
    %sign3A_1112 = arith.constant 0 : i32
    %sign3A_1113 = arith.cmpi slt, %jit3A_1100, %sign3A_1112 : i32
    %sign3A_1114 = arith.extui %sign3A_1113 : i1 to i32
    %sign3A_1115 = arith.subi %sign3A_1111, %sign3A_1114 : i32
    %ne3A_1116 = arith.cmpi ne, %sign3A_1108, %sign3A_1115 : i32
    %rem3A_1117 = arith.remsi %mul3A_1099, %jit3A_1100 : i32
    %ne3A_1118 = arith.constant 0 : i32
    %ne3A_1119 = arith.cmpi ne, %rem3A_1117, %ne3A_1118 : i32
    %and3A_1120 = arith.andi %ne3A_1116, %ne3A_1119 : i1
    %sub3A_1121 = arith.constant 1 : i32
    %sub3A_1122 = arith.subi %div3A_1101, %sub3A_1121 : i32
    %select_n3A_1123 = arith.select %and3A_1120, %sub3A_1122, %div3A_1101 : i32
    %mul3A_1124 = arith.constant 56 : i32
    %mul3A_1125 = arith.muli %select_n3A_1057, %mul3A_1124 : i32
    %dma_start3A_1126 = arith.constant 112 : i32
    %dma_start3A_1127 = arith.constant 0 : i32
    %dma_start3A_1128 = tpu.memref_slice %arg4[%dma_start3A_1126, %dma_start3A_1127] : memref<336x224xf32, #tpu.memory_space<vmem>> -> memref<56x224xf32, #tpu.memory_space<vmem>>
    %dma_start3A_1129 = arith.constant 0 : i32
    %dma_start3A_1130 = tpu.memref_slice %arg3[%select_n3A_1081, %select_n3A_1097, %mul3A_1125, %dma_start3A_1129] : memref<3x8x224x224xf32, #tpu.memory_space<hbm>> -> memref<1x1x56x224xf32, #tpu.memory_space<hbm>>
    %dma_start3A_1131 = tpu.memref_squeeze %dma_start3A_1130 : memref<1x1x56x224xf32, #tpu.memory_space<hbm>> -> memref<56x224xf32, #tpu.memory_space<hbm>>
    %dma_start3A_1132 = arith.constant 0 : i32
    %dma_start3A_1133 = tpu.memref_slice %arg3[%select_n3A_1081, %select_n3A_1097, %mul3A_1125, %dma_start3A_1132] : memref<3x8x224x224xf32, #tpu.memory_space<hbm>> -> memref<1x1x56x224xf32, #tpu.memory_space<hbm>>
    %dma_start3A_1134 = tpu.memref_squeeze %dma_start3A_1133 : memref<1x1x56x224xf32, #tpu.memory_space<hbm>> -> memref<56x224xf32, #tpu.memory_space<hbm>>
    %dma_start3A_1135 = arith.constant 112 : i32
    %dma_start3A_1136 = arith.constant 0 : i32
    %dma_start3A_1137 = tpu.memref_slice %arg4[%dma_start3A_1135, %dma_start3A_1136] : memref<336x224xf32, #tpu.memory_space<vmem>> -> memref<56x224xf32, #tpu.memory_space<vmem>>
    tpu.enqueue_dma source(%dma_start3A_1137 : memref<56x224xf32, #tpu.memory_space<vmem>>) target(%dma_start3A_1134 : memref<56x224xf32, #tpu.memory_space<hbm>>) target_semaphore(%arg13 : memref<!tpu.dma_semaphore, #tpu.memory_space<semaphore_mem>>)
    %dma_wait3A_1138 = arith.constant 168 : i32
    %dma_wait3A_1139 = arith.constant 0 : i32
    %dma_wait3A_1140 = tpu.memref_slice %arg4[%dma_wait3A_1138, %dma_wait3A_1139] : memref<336x224xf32, #tpu.memory_space<vmem>> -> memref<56x224xf32, #tpu.memory_space<vmem>>
    %dma_wait3A_1141 = arith.constant 0 : i32
    %dma_wait3A_1142 = tpu.memref_slice %arg2[%select_n3A_426, %select_n3A_468, %mul3A_470, %dma_wait3A_1141] : memref<3x32x224x224xf32, #tpu.memory_space<hbm>> -> memref<1x1x56x224xf32, #tpu.memory_space<hbm>>
    %dma_wait3A_1143 = tpu.memref_squeeze %dma_wait3A_1142 : memref<1x1x56x224xf32, #tpu.memory_space<hbm>> -> memref<56x224xf32, #tpu.memory_space<hbm>>
    %dma_wait3A_1144 = arith.constant 168 : i32
    %dma_wait3A_1145 = arith.constant 0 : i32
    %dma_wait3A_1146 = tpu.memref_slice %arg4[%dma_wait3A_1144, %dma_wait3A_1145] : memref<336x224xf32, #tpu.memory_space<vmem>> -> memref<56x224xf32, #tpu.memory_space<vmem>>
    %dma_wait3A_1147 = arith.constant 0 : i32
    %dma_wait3A_1148 = tpu.memref_slice %arg2[%select_n3A_426, %select_n3A_468, %mul3A_470, %dma_wait3A_1147] : memref<3x32x224x224xf32, #tpu.memory_space<hbm>> -> memref<1x1x56x224xf32, #tpu.memory_space<hbm>>
    %dma_wait3A_1149 = tpu.memref_squeeze %dma_wait3A_1148 : memref<1x1x56x224xf32, #tpu.memory_space<hbm>> -> memref<56x224xf32, #tpu.memory_space<hbm>>
    tpu.wait_dma2 semaphore(%arg8 : memref<!tpu.dma_semaphore, #tpu.memory_space<semaphore_mem>>) src(%dma_wait3A_1149 : memref<56x224xf32, #tpu.memory_space<hbm>>) dst(%dma_wait3A_1146 : memref<56x224xf32, #tpu.memory_space<vmem>>)
    %mul3A_1150 = arith.constant 6 : i32
    %mul3A_1151 = arith.muli %mul3A_1150, %arg1 : i32
    %add3A_1152 = arith.constant 3 : i32
    %add3A_1153 = arith.addi %mul3A_1151, %add3A_1152 : i32
    %jit3A_1154 = arith.constant 4 : i32
    %div3A_1155 = arith.divsi %add3A_1153, %jit3A_1154 : i32
    %sign3A_1156 = arith.constant 0 : i32
    %sign3A_1157 = arith.cmpi sgt, %add3A_1153, %sign3A_1156 : i32
    %sign3A_1158 = arith.extui %sign3A_1157 : i1 to i32
    %sign3A_1159 = arith.constant 0 : i32
    %sign3A_1160 = arith.cmpi slt, %add3A_1153, %sign3A_1159 : i32
    %sign3A_1161 = arith.extui %sign3A_1160 : i1 to i32
    %sign3A_1162 = arith.subi %sign3A_1158, %sign3A_1161 : i32
    %sign3A_1163 = arith.constant 0 : i32
    %sign3A_1164 = arith.cmpi sgt, %jit3A_1154, %sign3A_1163 : i32
    %sign3A_1165 = arith.extui %sign3A_1164 : i1 to i32
    %sign3A_1166 = arith.constant 0 : i32
    %sign3A_1167 = arith.cmpi slt, %jit3A_1154, %sign3A_1166 : i32
    %sign3A_1168 = arith.extui %sign3A_1167 : i1 to i32
    %sign3A_1169 = arith.subi %sign3A_1165, %sign3A_1168 : i32
    %ne3A_1170 = arith.cmpi ne, %sign3A_1162, %sign3A_1169 : i32
    %rem3A_1171 = arith.remsi %add3A_1153, %jit3A_1154 : i32
    %ne3A_1172 = arith.constant 0 : i32
    %ne3A_1173 = arith.cmpi ne, %rem3A_1171, %ne3A_1172 : i32
    %and3A_1174 = arith.andi %ne3A_1170, %ne3A_1173 : i1
    %sub3A_1175 = arith.constant 1 : i32
    %sub3A_1176 = arith.subi %div3A_1155, %sub3A_1175 : i32
    %select_n3A_1177 = arith.select %and3A_1174, %sub3A_1176, %div3A_1155 : i32
    %jit3A_1178 = arith.constant 4 : i32
    %eq3A_1179 = arith.constant 0 : i32
    %eq3A_1180 = arith.cmpi eq, %jit3A_1178, %eq3A_1179 : i32
    %jit3A_1181 = arith.constant 1 : i32
    %select_n3A_1182 = arith.select %eq3A_1180, %jit3A_1181, %jit3A_1178 : i32
    %rem3A_1183 = arith.remsi %add3A_1153, %select_n3A_1182 : i32
    %ne3A_1184 = arith.constant 0 : i32
    %ne3A_1185 = arith.cmpi ne, %rem3A_1183, %ne3A_1184 : i32
    %lt3A_1186 = arith.constant 0 : i32
    %lt3A_1187 = arith.cmpi slt, %rem3A_1183, %lt3A_1186 : i32
    %lt3A_1188 = arith.constant 0 : i32
    %lt3A_1189 = arith.cmpi slt, %select_n3A_1182, %lt3A_1188 : i32
    %ne3A_1190 = arith.xori %lt3A_1187, %lt3A_1189 : i1
    %and3A_1191 = arith.andi %ne3A_1190, %ne3A_1185 : i1
    %add3A_1192 = arith.addi %rem3A_1183, %select_n3A_1182 : i32
    %select_n3A_1193 = arith.select %and3A_1191, %add3A_1192, %rem3A_1183 : i32
    %jit3A_1194 = arith.constant 8 : i32
    %div3A_1195 = arith.divsi %select_n3A_1177, %jit3A_1194 : i32
    %sign3A_1196 = arith.constant 0 : i32
    %sign3A_1197 = arith.cmpi sgt, %select_n3A_1177, %sign3A_1196 : i32
    %sign3A_1198 = arith.extui %sign3A_1197 : i1 to i32
    %sign3A_1199 = arith.constant 0 : i32
    %sign3A_1200 = arith.cmpi slt, %select_n3A_1177, %sign3A_1199 : i32
    %sign3A_1201 = arith.extui %sign3A_1200 : i1 to i32
    %sign3A_1202 = arith.subi %sign3A_1198, %sign3A_1201 : i32
    %sign3A_1203 = arith.constant 0 : i32
    %sign3A_1204 = arith.cmpi sgt, %jit3A_1194, %sign3A_1203 : i32
    %sign3A_1205 = arith.extui %sign3A_1204 : i1 to i32
    %sign3A_1206 = arith.constant 0 : i32
    %sign3A_1207 = arith.cmpi slt, %jit3A_1194, %sign3A_1206 : i32
    %sign3A_1208 = arith.extui %sign3A_1207 : i1 to i32
    %sign3A_1209 = arith.subi %sign3A_1205, %sign3A_1208 : i32
    %ne3A_1210 = arith.cmpi ne, %sign3A_1202, %sign3A_1209 : i32
    %rem3A_1211 = arith.remsi %select_n3A_1177, %jit3A_1194 : i32
    %ne3A_1212 = arith.constant 0 : i32
    %ne3A_1213 = arith.cmpi ne, %rem3A_1211, %ne3A_1212 : i32
    %and3A_1214 = arith.andi %ne3A_1210, %ne3A_1213 : i1
    %sub3A_1215 = arith.constant 1 : i32
    %sub3A_1216 = arith.subi %div3A_1195, %sub3A_1215 : i32
    %select_n3A_1217 = arith.select %and3A_1214, %sub3A_1216, %div3A_1195 : i32
    %jit3A_1218 = arith.constant 8 : i32
    %eq3A_1219 = arith.constant 0 : i32
    %eq3A_1220 = arith.cmpi eq, %jit3A_1218, %eq3A_1219 : i32
    %jit3A_1221 = arith.constant 1 : i32
    %select_n3A_1222 = arith.select %eq3A_1220, %jit3A_1221, %jit3A_1218 : i32
    %rem3A_1223 = arith.remsi %select_n3A_1177, %select_n3A_1222 : i32
    %ne3A_1224 = arith.constant 0 : i32
    %ne3A_1225 = arith.cmpi ne, %rem3A_1223, %ne3A_1224 : i32
    %lt3A_1226 = arith.constant 0 : i32
    %lt3A_1227 = arith.cmpi slt, %rem3A_1223, %lt3A_1226 : i32
    %lt3A_1228 = arith.constant 0 : i32
    %lt3A_1229 = arith.cmpi slt, %select_n3A_1222, %lt3A_1228 : i32
    %ne3A_1230 = arith.xori %lt3A_1227, %lt3A_1229 : i1
    %and3A_1231 = arith.andi %ne3A_1230, %ne3A_1225 : i1
    %add3A_1232 = arith.addi %rem3A_1223, %select_n3A_1222 : i32
    %select_n3A_1233 = arith.select %and3A_1231, %add3A_1232, %rem3A_1223 : i32
    %mul3A_1234 = arith.constant 31 : i32
    %mul3A_1235 = arith.muli %select_n3A_1233, %mul3A_1234 : i32
    %jit3A_1236 = arith.constant 7 : i32
    %div3A_1237 = arith.divsi %mul3A_1235, %jit3A_1236 : i32
    %sign3A_1238 = arith.constant 0 : i32
    %sign3A_1239 = arith.cmpi sgt, %mul3A_1235, %sign3A_1238 : i32
    %sign3A_1240 = arith.extui %sign3A_1239 : i1 to i32
    %sign3A_1241 = arith.constant 0 : i32
    %sign3A_1242 = arith.cmpi slt, %mul3A_1235, %sign3A_1241 : i32
    %sign3A_1243 = arith.extui %sign3A_1242 : i1 to i32
    %sign3A_1244 = arith.subi %sign3A_1240, %sign3A_1243 : i32
    %sign3A_1245 = arith.constant 0 : i32
    %sign3A_1246 = arith.cmpi sgt, %jit3A_1236, %sign3A_1245 : i32
    %sign3A_1247 = arith.extui %sign3A_1246 : i1 to i32
    %sign3A_1248 = arith.constant 0 : i32
    %sign3A_1249 = arith.cmpi slt, %jit3A_1236, %sign3A_1248 : i32
    %sign3A_1250 = arith.extui %sign3A_1249 : i1 to i32
    %sign3A_1251 = arith.subi %sign3A_1247, %sign3A_1250 : i32
    %ne3A_1252 = arith.cmpi ne, %sign3A_1244, %sign3A_1251 : i32
    %rem3A_1253 = arith.remsi %mul3A_1235, %jit3A_1236 : i32
    %ne3A_1254 = arith.constant 0 : i32
    %ne3A_1255 = arith.cmpi ne, %rem3A_1253, %ne3A_1254 : i32
    %and3A_1256 = arith.andi %ne3A_1252, %ne3A_1255 : i1
    %sub3A_1257 = arith.constant 1 : i32
    %sub3A_1258 = arith.subi %div3A_1237, %sub3A_1257 : i32
    %select_n3A_1259 = arith.select %and3A_1256, %sub3A_1258, %div3A_1237 : i32
    %mul3A_1260 = arith.constant 56 : i32
    %mul3A_1261 = arith.muli %select_n3A_1193, %mul3A_1260 : i32
    %dma_start3A_1262 = arith.constant 168 : i32
    %dma_start3A_1263 = arith.constant 0 : i32
    %dma_start3A_1264 = tpu.memref_slice %arg4[%dma_start3A_1262, %dma_start3A_1263] : memref<336x224xf32, #tpu.memory_space<vmem>> -> memref<56x224xf32, #tpu.memory_space<vmem>>
    %dma_start3A_1265 = arith.constant 0 : i32
    %dma_start3A_1266 = tpu.memref_slice %arg3[%select_n3A_1217, %select_n3A_1233, %mul3A_1261, %dma_start3A_1265] : memref<3x8x224x224xf32, #tpu.memory_space<hbm>> -> memref<1x1x56x224xf32, #tpu.memory_space<hbm>>
    %dma_start3A_1267 = tpu.memref_squeeze %dma_start3A_1266 : memref<1x1x56x224xf32, #tpu.memory_space<hbm>> -> memref<56x224xf32, #tpu.memory_space<hbm>>
    %dma_start3A_1268 = arith.constant 0 : i32
    %dma_start3A_1269 = tpu.memref_slice %arg3[%select_n3A_1217, %select_n3A_1233, %mul3A_1261, %dma_start3A_1268] : memref<3x8x224x224xf32, #tpu.memory_space<hbm>> -> memref<1x1x56x224xf32, #tpu.memory_space<hbm>>
    %dma_start3A_1270 = tpu.memref_squeeze %dma_start3A_1269 : memref<1x1x56x224xf32, #tpu.memory_space<hbm>> -> memref<56x224xf32, #tpu.memory_space<hbm>>
    %dma_start3A_1271 = arith.constant 168 : i32
    %dma_start3A_1272 = arith.constant 0 : i32
    %dma_start3A_1273 = tpu.memref_slice %arg4[%dma_start3A_1271, %dma_start3A_1272] : memref<336x224xf32, #tpu.memory_space<vmem>> -> memref<56x224xf32, #tpu.memory_space<vmem>>
    tpu.enqueue_dma source(%dma_start3A_1273 : memref<56x224xf32, #tpu.memory_space<vmem>>) target(%dma_start3A_1270 : memref<56x224xf32, #tpu.memory_space<hbm>>) target_semaphore(%arg14 : memref<!tpu.dma_semaphore, #tpu.memory_space<semaphore_mem>>)
    %dma_wait3A_1274 = arith.constant 224 : i32
    %dma_wait3A_1275 = arith.constant 0 : i32
    %dma_wait3A_1276 = tpu.memref_slice %arg4[%dma_wait3A_1274, %dma_wait3A_1275] : memref<336x224xf32, #tpu.memory_space<vmem>> -> memref<56x224xf32, #tpu.memory_space<vmem>>
    %dma_wait3A_1277 = arith.constant 0 : i32
    %dma_wait3A_1278 = tpu.memref_slice %arg2[%select_n3A_550, %select_n3A_592, %mul3A_594, %dma_wait3A_1277] : memref<3x32x224x224xf32, #tpu.memory_space<hbm>> -> memref<1x1x56x224xf32, #tpu.memory_space<hbm>>
    %dma_wait3A_1279 = tpu.memref_squeeze %dma_wait3A_1278 : memref<1x1x56x224xf32, #tpu.memory_space<hbm>> -> memref<56x224xf32, #tpu.memory_space<hbm>>
    %dma_wait3A_1280 = arith.constant 224 : i32
    %dma_wait3A_1281 = arith.constant 0 : i32
    %dma_wait3A_1282 = tpu.memref_slice %arg4[%dma_wait3A_1280, %dma_wait3A_1281] : memref<336x224xf32, #tpu.memory_space<vmem>> -> memref<56x224xf32, #tpu.memory_space<vmem>>
    %dma_wait3A_1283 = arith.constant 0 : i32
    %dma_wait3A_1284 = tpu.memref_slice %arg2[%select_n3A_550, %select_n3A_592, %mul3A_594, %dma_wait3A_1283] : memref<3x32x224x224xf32, #tpu.memory_space<hbm>> -> memref<1x1x56x224xf32, #tpu.memory_space<hbm>>
    %dma_wait3A_1285 = tpu.memref_squeeze %dma_wait3A_1284 : memref<1x1x56x224xf32, #tpu.memory_space<hbm>> -> memref<56x224xf32, #tpu.memory_space<hbm>>
    tpu.wait_dma2 semaphore(%arg9 : memref<!tpu.dma_semaphore, #tpu.memory_space<semaphore_mem>>) src(%dma_wait3A_1285 : memref<56x224xf32, #tpu.memory_space<hbm>>) dst(%dma_wait3A_1282 : memref<56x224xf32, #tpu.memory_space<vmem>>)
    %mul3A_1286 = arith.constant 6 : i32
    %mul3A_1287 = arith.muli %mul3A_1286, %arg1 : i32
    %add3A_1288 = arith.constant 4 : i32
    %add3A_1289 = arith.addi %mul3A_1287, %add3A_1288 : i32
    %jit3A_1290 = arith.constant 4 : i32
    %div3A_1291 = arith.divsi %add3A_1289, %jit3A_1290 : i32
    %sign3A_1292 = arith.constant 0 : i32
    %sign3A_1293 = arith.cmpi sgt, %add3A_1289, %sign3A_1292 : i32
    %sign3A_1294 = arith.extui %sign3A_1293 : i1 to i32
    %sign3A_1295 = arith.constant 0 : i32
    %sign3A_1296 = arith.cmpi slt, %add3A_1289, %sign3A_1295 : i32
    %sign3A_1297 = arith.extui %sign3A_1296 : i1 to i32
    %sign3A_1298 = arith.subi %sign3A_1294, %sign3A_1297 : i32
    %sign3A_1299 = arith.constant 0 : i32
    %sign3A_1300 = arith.cmpi sgt, %jit3A_1290, %sign3A_1299 : i32
    %sign3A_1301 = arith.extui %sign3A_1300 : i1 to i32
    %sign3A_1302 = arith.constant 0 : i32
    %sign3A_1303 = arith.cmpi slt, %jit3A_1290, %sign3A_1302 : i32
    %sign3A_1304 = arith.extui %sign3A_1303 : i1 to i32
    %sign3A_1305 = arith.subi %sign3A_1301, %sign3A_1304 : i32
    %ne3A_1306 = arith.cmpi ne, %sign3A_1298, %sign3A_1305 : i32
    %rem3A_1307 = arith.remsi %add3A_1289, %jit3A_1290 : i32
    %ne3A_1308 = arith.constant 0 : i32
    %ne3A_1309 = arith.cmpi ne, %rem3A_1307, %ne3A_1308 : i32
    %and3A_1310 = arith.andi %ne3A_1306, %ne3A_1309 : i1
    %sub3A_1311 = arith.constant 1 : i32
    %sub3A_1312 = arith.subi %div3A_1291, %sub3A_1311 : i32
    %select_n3A_1313 = arith.select %and3A_1310, %sub3A_1312, %div3A_1291 : i32
    %jit3A_1314 = arith.constant 4 : i32
    %eq3A_1315 = arith.constant 0 : i32
    %eq3A_1316 = arith.cmpi eq, %jit3A_1314, %eq3A_1315 : i32
    %jit3A_1317 = arith.constant 1 : i32
    %select_n3A_1318 = arith.select %eq3A_1316, %jit3A_1317, %jit3A_1314 : i32
    %rem3A_1319 = arith.remsi %add3A_1289, %select_n3A_1318 : i32
    %ne3A_1320 = arith.constant 0 : i32
    %ne3A_1321 = arith.cmpi ne, %rem3A_1319, %ne3A_1320 : i32
    %lt3A_1322 = arith.constant 0 : i32
    %lt3A_1323 = arith.cmpi slt, %rem3A_1319, %lt3A_1322 : i32
    %lt3A_1324 = arith.constant 0 : i32
    %lt3A_1325 = arith.cmpi slt, %select_n3A_1318, %lt3A_1324 : i32
    %ne3A_1326 = arith.xori %lt3A_1323, %lt3A_1325 : i1
    %and3A_1327 = arith.andi %ne3A_1326, %ne3A_1321 : i1
    %add3A_1328 = arith.addi %rem3A_1319, %select_n3A_1318 : i32
    %select_n3A_1329 = arith.select %and3A_1327, %add3A_1328, %rem3A_1319 : i32
    %jit3A_1330 = arith.constant 8 : i32
    %div3A_1331 = arith.divsi %select_n3A_1313, %jit3A_1330 : i32
    %sign3A_1332 = arith.constant 0 : i32
    %sign3A_1333 = arith.cmpi sgt, %select_n3A_1313, %sign3A_1332 : i32
    %sign3A_1334 = arith.extui %sign3A_1333 : i1 to i32
    %sign3A_1335 = arith.constant 0 : i32
    %sign3A_1336 = arith.cmpi slt, %select_n3A_1313, %sign3A_1335 : i32
    %sign3A_1337 = arith.extui %sign3A_1336 : i1 to i32
    %sign3A_1338 = arith.subi %sign3A_1334, %sign3A_1337 : i32
    %sign3A_1339 = arith.constant 0 : i32
    %sign3A_1340 = arith.cmpi sgt, %jit3A_1330, %sign3A_1339 : i32
    %sign3A_1341 = arith.extui %sign3A_1340 : i1 to i32
    %sign3A_1342 = arith.constant 0 : i32
    %sign3A_1343 = arith.cmpi slt, %jit3A_1330, %sign3A_1342 : i32
    %sign3A_1344 = arith.extui %sign3A_1343 : i1 to i32
    %sign3A_1345 = arith.subi %sign3A_1341, %sign3A_1344 : i32
    %ne3A_1346 = arith.cmpi ne, %sign3A_1338, %sign3A_1345 : i32
    %rem3A_1347 = arith.remsi %select_n3A_1313, %jit3A_1330 : i32
    %ne3A_1348 = arith.constant 0 : i32
    %ne3A_1349 = arith.cmpi ne, %rem3A_1347, %ne3A_1348 : i32
    %and3A_1350 = arith.andi %ne3A_1346, %ne3A_1349 : i1
    %sub3A_1351 = arith.constant 1 : i32
    %sub3A_1352 = arith.subi %div3A_1331, %sub3A_1351 : i32
    %select_n3A_1353 = arith.select %and3A_1350, %sub3A_1352, %div3A_1331 : i32
    %jit3A_1354 = arith.constant 8 : i32
    %eq3A_1355 = arith.constant 0 : i32
    %eq3A_1356 = arith.cmpi eq, %jit3A_1354, %eq3A_1355 : i32
    %jit3A_1357 = arith.constant 1 : i32
    %select_n3A_1358 = arith.select %eq3A_1356, %jit3A_1357, %jit3A_1354 : i32
    %rem3A_1359 = arith.remsi %select_n3A_1313, %select_n3A_1358 : i32
    %ne3A_1360 = arith.constant 0 : i32
    %ne3A_1361 = arith.cmpi ne, %rem3A_1359, %ne3A_1360 : i32
    %lt3A_1362 = arith.constant 0 : i32
    %lt3A_1363 = arith.cmpi slt, %rem3A_1359, %lt3A_1362 : i32
    %lt3A_1364 = arith.constant 0 : i32
    %lt3A_1365 = arith.cmpi slt, %select_n3A_1358, %lt3A_1364 : i32
    %ne3A_1366 = arith.xori %lt3A_1363, %lt3A_1365 : i1
    %and3A_1367 = arith.andi %ne3A_1366, %ne3A_1361 : i1
    %add3A_1368 = arith.addi %rem3A_1359, %select_n3A_1358 : i32
    %select_n3A_1369 = arith.select %and3A_1367, %add3A_1368, %rem3A_1359 : i32
    %mul3A_1370 = arith.constant 31 : i32
    %mul3A_1371 = arith.muli %select_n3A_1369, %mul3A_1370 : i32
    %jit3A_1372 = arith.constant 7 : i32
    %div3A_1373 = arith.divsi %mul3A_1371, %jit3A_1372 : i32
    %sign3A_1374 = arith.constant 0 : i32
    %sign3A_1375 = arith.cmpi sgt, %mul3A_1371, %sign3A_1374 : i32
    %sign3A_1376 = arith.extui %sign3A_1375 : i1 to i32
    %sign3A_1377 = arith.constant 0 : i32
    %sign3A_1378 = arith.cmpi slt, %mul3A_1371, %sign3A_1377 : i32
    %sign3A_1379 = arith.extui %sign3A_1378 : i1 to i32
    %sign3A_1380 = arith.subi %sign3A_1376, %sign3A_1379 : i32
    %sign3A_1381 = arith.constant 0 : i32
    %sign3A_1382 = arith.cmpi sgt, %jit3A_1372, %sign3A_1381 : i32
    %sign3A_1383 = arith.extui %sign3A_1382 : i1 to i32
    %sign3A_1384 = arith.constant 0 : i32
    %sign3A_1385 = arith.cmpi slt, %jit3A_1372, %sign3A_1384 : i32
    %sign3A_1386 = arith.extui %sign3A_1385 : i1 to i32
    %sign3A_1387 = arith.subi %sign3A_1383, %sign3A_1386 : i32
    %ne3A_1388 = arith.cmpi ne, %sign3A_1380, %sign3A_1387 : i32
    %rem3A_1389 = arith.remsi %mul3A_1371, %jit3A_1372 : i32
    %ne3A_1390 = arith.constant 0 : i32
    %ne3A_1391 = arith.cmpi ne, %rem3A_1389, %ne3A_1390 : i32
    %and3A_1392 = arith.andi %ne3A_1388, %ne3A_1391 : i1
    %sub3A_1393 = arith.constant 1 : i32
    %sub3A_1394 = arith.subi %div3A_1373, %sub3A_1393 : i32
    %select_n3A_1395 = arith.select %and3A_1392, %sub3A_1394, %div3A_1373 : i32
    %mul3A_1396 = arith.constant 56 : i32
    %mul3A_1397 = arith.muli %select_n3A_1329, %mul3A_1396 : i32
    %dma_start3A_1398 = arith.constant 224 : i32
    %dma_start3A_1399 = arith.constant 0 : i32
    %dma_start3A_1400 = tpu.memref_slice %arg4[%dma_start3A_1398, %dma_start3A_1399] : memref<336x224xf32, #tpu.memory_space<vmem>> -> memref<56x224xf32, #tpu.memory_space<vmem>>
    %dma_start3A_1401 = arith.constant 0 : i32
    %dma_start3A_1402 = tpu.memref_slice %arg3[%select_n3A_1353, %select_n3A_1369, %mul3A_1397, %dma_start3A_1401] : memref<3x8x224x224xf32, #tpu.memory_space<hbm>> -> memref<1x1x56x224xf32, #tpu.memory_space<hbm>>
    %dma_start3A_1403 = tpu.memref_squeeze %dma_start3A_1402 : memref<1x1x56x224xf32, #tpu.memory_space<hbm>> -> memref<56x224xf32, #tpu.memory_space<hbm>>
    %dma_start3A_1404 = arith.constant 0 : i32
    %dma_start3A_1405 = tpu.memref_slice %arg3[%select_n3A_1353, %select_n3A_1369, %mul3A_1397, %dma_start3A_1404] : memref<3x8x224x224xf32, #tpu.memory_space<hbm>> -> memref<1x1x56x224xf32, #tpu.memory_space<hbm>>
    %dma_start3A_1406 = tpu.memref_squeeze %dma_start3A_1405 : memref<1x1x56x224xf32, #tpu.memory_space<hbm>> -> memref<56x224xf32, #tpu.memory_space<hbm>>
    %dma_start3A_1407 = arith.constant 224 : i32
    %dma_start3A_1408 = arith.constant 0 : i32
    %dma_start3A_1409 = tpu.memref_slice %arg4[%dma_start3A_1407, %dma_start3A_1408] : memref<336x224xf32, #tpu.memory_space<vmem>> -> memref<56x224xf32, #tpu.memory_space<vmem>>
    tpu.enqueue_dma source(%dma_start3A_1409 : memref<56x224xf32, #tpu.memory_space<vmem>>) target(%dma_start3A_1406 : memref<56x224xf32, #tpu.memory_space<hbm>>) target_semaphore(%arg15 : memref<!tpu.dma_semaphore, #tpu.memory_space<semaphore_mem>>)
    %dma_wait3A_1410 = arith.constant 280 : i32
    %dma_wait3A_1411 = arith.constant 0 : i32
    %dma_wait3A_1412 = tpu.memref_slice %arg4[%dma_wait3A_1410, %dma_wait3A_1411] : memref<336x224xf32, #tpu.memory_space<vmem>> -> memref<56x224xf32, #tpu.memory_space<vmem>>
    %dma_wait3A_1413 = arith.constant 0 : i32
    %dma_wait3A_1414 = tpu.memref_slice %arg2[%select_n3A_674, %select_n3A_716, %mul3A_718, %dma_wait3A_1413] : memref<3x32x224x224xf32, #tpu.memory_space<hbm>> -> memref<1x1x56x224xf32, #tpu.memory_space<hbm>>
    %dma_wait3A_1415 = tpu.memref_squeeze %dma_wait3A_1414 : memref<1x1x56x224xf32, #tpu.memory_space<hbm>> -> memref<56x224xf32, #tpu.memory_space<hbm>>
    %dma_wait3A_1416 = arith.constant 280 : i32
    %dma_wait3A_1417 = arith.constant 0 : i32
    %dma_wait3A_1418 = tpu.memref_slice %arg4[%dma_wait3A_1416, %dma_wait3A_1417] : memref<336x224xf32, #tpu.memory_space<vmem>> -> memref<56x224xf32, #tpu.memory_space<vmem>>
    %dma_wait3A_1419 = arith.constant 0 : i32
    %dma_wait3A_1420 = tpu.memref_slice %arg2[%select_n3A_674, %select_n3A_716, %mul3A_718, %dma_wait3A_1419] : memref<3x32x224x224xf32, #tpu.memory_space<hbm>> -> memref<1x1x56x224xf32, #tpu.memory_space<hbm>>
    %dma_wait3A_1421 = tpu.memref_squeeze %dma_wait3A_1420 : memref<1x1x56x224xf32, #tpu.memory_space<hbm>> -> memref<56x224xf32, #tpu.memory_space<hbm>>
    tpu.wait_dma2 semaphore(%arg10 : memref<!tpu.dma_semaphore, #tpu.memory_space<semaphore_mem>>) src(%dma_wait3A_1421 : memref<56x224xf32, #tpu.memory_space<hbm>>) dst(%dma_wait3A_1418 : memref<56x224xf32, #tpu.memory_space<vmem>>)
    %mul3A_1422 = arith.constant 6 : i32
    %mul3A_1423 = arith.muli %mul3A_1422, %arg1 : i32
    %add3A_1424 = arith.constant 5 : i32
    %add3A_1425 = arith.addi %mul3A_1423, %add3A_1424 : i32
    %jit3A_1426 = arith.constant 4 : i32
    %div3A_1427 = arith.divsi %add3A_1425, %jit3A_1426 : i32
    %sign3A_1428 = arith.constant 0 : i32
    %sign3A_1429 = arith.cmpi sgt, %add3A_1425, %sign3A_1428 : i32
    %sign3A_1430 = arith.extui %sign3A_1429 : i1 to i32
    %sign3A_1431 = arith.constant 0 : i32
    %sign3A_1432 = arith.cmpi slt, %add3A_1425, %sign3A_1431 : i32
    %sign3A_1433 = arith.extui %sign3A_1432 : i1 to i32
    %sign3A_1434 = arith.subi %sign3A_1430, %sign3A_1433 : i32
    %sign3A_1435 = arith.constant 0 : i32
    %sign3A_1436 = arith.cmpi sgt, %jit3A_1426, %sign3A_1435 : i32
    %sign3A_1437 = arith.extui %sign3A_1436 : i1 to i32
    %sign3A_1438 = arith.constant 0 : i32
    %sign3A_1439 = arith.cmpi slt, %jit3A_1426, %sign3A_1438 : i32
    %sign3A_1440 = arith.extui %sign3A_1439 : i1 to i32
    %sign3A_1441 = arith.subi %sign3A_1437, %sign3A_1440 : i32
    %ne3A_1442 = arith.cmpi ne, %sign3A_1434, %sign3A_1441 : i32
    %rem3A_1443 = arith.remsi %add3A_1425, %jit3A_1426 : i32
    %ne3A_1444 = arith.constant 0 : i32
    %ne3A_1445 = arith.cmpi ne, %rem3A_1443, %ne3A_1444 : i32
    %and3A_1446 = arith.andi %ne3A_1442, %ne3A_1445 : i1
    %sub3A_1447 = arith.constant 1 : i32
    %sub3A_1448 = arith.subi %div3A_1427, %sub3A_1447 : i32
    %select_n3A_1449 = arith.select %and3A_1446, %sub3A_1448, %div3A_1427 : i32
    %jit3A_1450 = arith.constant 4 : i32
    %eq3A_1451 = arith.constant 0 : i32
    %eq3A_1452 = arith.cmpi eq, %jit3A_1450, %eq3A_1451 : i32
    %jit3A_1453 = arith.constant 1 : i32
    %select_n3A_1454 = arith.select %eq3A_1452, %jit3A_1453, %jit3A_1450 : i32
    %rem3A_1455 = arith.remsi %add3A_1425, %select_n3A_1454 : i32
    %ne3A_1456 = arith.constant 0 : i32
    %ne3A_1457 = arith.cmpi ne, %rem3A_1455, %ne3A_1456 : i32
    %lt3A_1458 = arith.constant 0 : i32
    %lt3A_1459 = arith.cmpi slt, %rem3A_1455, %lt3A_1458 : i32
    %lt3A_1460 = arith.constant 0 : i32
    %lt3A_1461 = arith.cmpi slt, %select_n3A_1454, %lt3A_1460 : i32
    %ne3A_1462 = arith.xori %lt3A_1459, %lt3A_1461 : i1
    %and3A_1463 = arith.andi %ne3A_1462, %ne3A_1457 : i1
    %add3A_1464 = arith.addi %rem3A_1455, %select_n3A_1454 : i32
    %select_n3A_1465 = arith.select %and3A_1463, %add3A_1464, %rem3A_1455 : i32
    %jit3A_1466 = arith.constant 8 : i32
    %div3A_1467 = arith.divsi %select_n3A_1449, %jit3A_1466 : i32
    %sign3A_1468 = arith.constant 0 : i32
    %sign3A_1469 = arith.cmpi sgt, %select_n3A_1449, %sign3A_1468 : i32
    %sign3A_1470 = arith.extui %sign3A_1469 : i1 to i32
    %sign3A_1471 = arith.constant 0 : i32
    %sign3A_1472 = arith.cmpi slt, %select_n3A_1449, %sign3A_1471 : i32
    %sign3A_1473 = arith.extui %sign3A_1472 : i1 to i32
    %sign3A_1474 = arith.subi %sign3A_1470, %sign3A_1473 : i32
    %sign3A_1475 = arith.constant 0 : i32
    %sign3A_1476 = arith.cmpi sgt, %jit3A_1466, %sign3A_1475 : i32
    %sign3A_1477 = arith.extui %sign3A_1476 : i1 to i32
    %sign3A_1478 = arith.constant 0 : i32
    %sign3A_1479 = arith.cmpi slt, %jit3A_1466, %sign3A_1478 : i32
    %sign3A_1480 = arith.extui %sign3A_1479 : i1 to i32
    %sign3A_1481 = arith.subi %sign3A_1477, %sign3A_1480 : i32
    %ne3A_1482 = arith.cmpi ne, %sign3A_1474, %sign3A_1481 : i32
    %rem3A_1483 = arith.remsi %select_n3A_1449, %jit3A_1466 : i32
    %ne3A_1484 = arith.constant 0 : i32
    %ne3A_1485 = arith.cmpi ne, %rem3A_1483, %ne3A_1484 : i32
    %and3A_1486 = arith.andi %ne3A_1482, %ne3A_1485 : i1
    %sub3A_1487 = arith.constant 1 : i32
    %sub3A_1488 = arith.subi %div3A_1467, %sub3A_1487 : i32
    %select_n3A_1489 = arith.select %and3A_1486, %sub3A_1488, %div3A_1467 : i32
    %jit3A_1490 = arith.constant 8 : i32
    %eq3A_1491 = arith.constant 0 : i32
    %eq3A_1492 = arith.cmpi eq, %jit3A_1490, %eq3A_1491 : i32
    %jit3A_1493 = arith.constant 1 : i32
    %select_n3A_1494 = arith.select %eq3A_1492, %jit3A_1493, %jit3A_1490 : i32
    %rem3A_1495 = arith.remsi %select_n3A_1449, %select_n3A_1494 : i32
    %ne3A_1496 = arith.constant 0 : i32
    %ne3A_1497 = arith.cmpi ne, %rem3A_1495, %ne3A_1496 : i32
    %lt3A_1498 = arith.constant 0 : i32
    %lt3A_1499 = arith.cmpi slt, %rem3A_1495, %lt3A_1498 : i32
    %lt3A_1500 = arith.constant 0 : i32
    %lt3A_1501 = arith.cmpi slt, %select_n3A_1494, %lt3A_1500 : i32
    %ne3A_1502 = arith.xori %lt3A_1499, %lt3A_1501 : i1
    %and3A_1503 = arith.andi %ne3A_1502, %ne3A_1497 : i1
    %add3A_1504 = arith.addi %rem3A_1495, %select_n3A_1494 : i32
    %select_n3A_1505 = arith.select %and3A_1503, %add3A_1504, %rem3A_1495 : i32
    %mul3A_1506 = arith.constant 31 : i32
    %mul3A_1507 = arith.muli %select_n3A_1505, %mul3A_1506 : i32
    %jit3A_1508 = arith.constant 7 : i32
    %div3A_1509 = arith.divsi %mul3A_1507, %jit3A_1508 : i32
    %sign3A_1510 = arith.constant 0 : i32
    %sign3A_1511 = arith.cmpi sgt, %mul3A_1507, %sign3A_1510 : i32
    %sign3A_1512 = arith.extui %sign3A_1511 : i1 to i32
    %sign3A_1513 = arith.constant 0 : i32
    %sign3A_1514 = arith.cmpi slt, %mul3A_1507, %sign3A_1513 : i32
    %sign3A_1515 = arith.extui %sign3A_1514 : i1 to i32
    %sign3A_1516 = arith.subi %sign3A_1512, %sign3A_1515 : i32
    %sign3A_1517 = arith.constant 0 : i32
    %sign3A_1518 = arith.cmpi sgt, %jit3A_1508, %sign3A_1517 : i32
    %sign3A_1519 = arith.extui %sign3A_1518 : i1 to i32
    %sign3A_1520 = arith.constant 0 : i32
    %sign3A_1521 = arith.cmpi slt, %jit3A_1508, %sign3A_1520 : i32
    %sign3A_1522 = arith.extui %sign3A_1521 : i1 to i32
    %sign3A_1523 = arith.subi %sign3A_1519, %sign3A_1522 : i32
    %ne3A_1524 = arith.cmpi ne, %sign3A_1516, %sign3A_1523 : i32
    %rem3A_1525 = arith.remsi %mul3A_1507, %jit3A_1508 : i32
    %ne3A_1526 = arith.constant 0 : i32
    %ne3A_1527 = arith.cmpi ne, %rem3A_1525, %ne3A_1526 : i32
    %and3A_1528 = arith.andi %ne3A_1524, %ne3A_1527 : i1
    %sub3A_1529 = arith.constant 1 : i32
    %sub3A_1530 = arith.subi %div3A_1509, %sub3A_1529 : i32
    %select_n3A_1531 = arith.select %and3A_1528, %sub3A_1530, %div3A_1509 : i32
    %mul3A_1532 = arith.constant 56 : i32
    %mul3A_1533 = arith.muli %select_n3A_1465, %mul3A_1532 : i32
    %dma_start3A_1534 = arith.constant 280 : i32
    %dma_start3A_1535 = arith.constant 0 : i32
    %dma_start3A_1536 = tpu.memref_slice %arg4[%dma_start3A_1534, %dma_start3A_1535] : memref<336x224xf32, #tpu.memory_space<vmem>> -> memref<56x224xf32, #tpu.memory_space<vmem>>
    %dma_start3A_1537 = arith.constant 0 : i32
    %dma_start3A_1538 = tpu.memref_slice %arg3[%select_n3A_1489, %select_n3A_1505, %mul3A_1533, %dma_start3A_1537] : memref<3x8x224x224xf32, #tpu.memory_space<hbm>> -> memref<1x1x56x224xf32, #tpu.memory_space<hbm>>
    %dma_start3A_1539 = tpu.memref_squeeze %dma_start3A_1538 : memref<1x1x56x224xf32, #tpu.memory_space<hbm>> -> memref<56x224xf32, #tpu.memory_space<hbm>>
    %dma_start3A_1540 = arith.constant 0 : i32
    %dma_start3A_1541 = tpu.memref_slice %arg3[%select_n3A_1489, %select_n3A_1505, %mul3A_1533, %dma_start3A_1540] : memref<3x8x224x224xf32, #tpu.memory_space<hbm>> -> memref<1x1x56x224xf32, #tpu.memory_space<hbm>>
    %dma_start3A_1542 = tpu.memref_squeeze %dma_start3A_1541 : memref<1x1x56x224xf32, #tpu.memory_space<hbm>> -> memref<56x224xf32, #tpu.memory_space<hbm>>
    %dma_start3A_1543 = arith.constant 280 : i32
    %dma_start3A_1544 = arith.constant 0 : i32
    %dma_start3A_1545 = tpu.memref_slice %arg4[%dma_start3A_1543, %dma_start3A_1544] : memref<336x224xf32, #tpu.memory_space<vmem>> -> memref<56x224xf32, #tpu.memory_space<vmem>>
    tpu.enqueue_dma source(%dma_start3A_1545 : memref<56x224xf32, #tpu.memory_space<vmem>>) target(%dma_start3A_1542 : memref<56x224xf32, #tpu.memory_space<hbm>>) target_semaphore(%arg16 : memref<!tpu.dma_semaphore, #tpu.memory_space<semaphore_mem>>)
    %dma_wait3A_1546 = arith.constant 0 : i32
    %dma_wait3A_1547 = arith.constant 0 : i32
    %dma_wait3A_1548 = tpu.memref_slice %arg4[%dma_wait3A_1546, %dma_wait3A_1547] : memref<336x224xf32, #tpu.memory_space<vmem>> -> memref<56x224xf32, #tpu.memory_space<vmem>>
    %dma_wait3A_1549 = arith.constant 0 : i32
    %dma_wait3A_1550 = tpu.memref_slice %arg3[%select_n3A_809, %select_n3A_825, %mul3A_853, %dma_wait3A_1549] : memref<3x8x224x224xf32, #tpu.memory_space<hbm>> -> memref<1x1x56x224xf32, #tpu.memory_space<hbm>>
    %dma_wait3A_1551 = tpu.memref_squeeze %dma_wait3A_1550 : memref<1x1x56x224xf32, #tpu.memory_space<hbm>> -> memref<56x224xf32, #tpu.memory_space<hbm>>
    %dma_wait3A_1552 = arith.constant 0 : i32
    %dma_wait3A_1553 = tpu.memref_slice %arg3[%select_n3A_809, %select_n3A_825, %mul3A_853, %dma_wait3A_1552] : memref<3x8x224x224xf32, #tpu.memory_space<hbm>> -> memref<1x1x56x224xf32, #tpu.memory_space<hbm>>
    %dma_wait3A_1554 = tpu.memref_squeeze %dma_wait3A_1553 : memref<1x1x56x224xf32, #tpu.memory_space<hbm>> -> memref<56x224xf32, #tpu.memory_space<hbm>>
    %dma_wait3A_1555 = arith.constant 0 : i32
    %dma_wait3A_1556 = arith.constant 0 : i32
    %dma_wait3A_1557 = tpu.memref_slice %arg4[%dma_wait3A_1555, %dma_wait3A_1556] : memref<336x224xf32, #tpu.memory_space<vmem>> -> memref<56x224xf32, #tpu.memory_space<vmem>>
    tpu.wait_dma2 semaphore(%arg11 : memref<!tpu.dma_semaphore, #tpu.memory_space<semaphore_mem>>) src(%dma_wait3A_1557 : memref<56x224xf32, #tpu.memory_space<vmem>>) dst(%dma_wait3A_1554 : memref<56x224xf32, #tpu.memory_space<hbm>>)
    %dma_wait3A_1558 = arith.constant 56 : i32
    %dma_wait3A_1559 = arith.constant 0 : i32
    %dma_wait3A_1560 = tpu.memref_slice %arg4[%dma_wait3A_1558, %dma_wait3A_1559] : memref<336x224xf32, #tpu.memory_space<vmem>> -> memref<56x224xf32, #tpu.memory_space<vmem>>
    %dma_wait3A_1561 = arith.constant 0 : i32
    %dma_wait3A_1562 = tpu.memref_slice %arg3[%select_n3A_945, %select_n3A_961, %mul3A_989, %dma_wait3A_1561] : memref<3x8x224x224xf32, #tpu.memory_space<hbm>> -> memref<1x1x56x224xf32, #tpu.memory_space<hbm>>
    %dma_wait3A_1563 = tpu.memref_squeeze %dma_wait3A_1562 : memref<1x1x56x224xf32, #tpu.memory_space<hbm>> -> memref<56x224xf32, #tpu.memory_space<hbm>>
    %dma_wait3A_1564 = arith.constant 0 : i32
    %dma_wait3A_1565 = tpu.memref_slice %arg3[%select_n3A_945, %select_n3A_961, %mul3A_989, %dma_wait3A_1564] : memref<3x8x224x224xf32, #tpu.memory_space<hbm>> -> memref<1x1x56x224xf32, #tpu.memory_space<hbm>>
    %dma_wait3A_1566 = tpu.memref_squeeze %dma_wait3A_1565 : memref<1x1x56x224xf32, #tpu.memory_space<hbm>> -> memref<56x224xf32, #tpu.memory_space<hbm>>
    %dma_wait3A_1567 = arith.constant 56 : i32
    %dma_wait3A_1568 = arith.constant 0 : i32
    %dma_wait3A_1569 = tpu.memref_slice %arg4[%dma_wait3A_1567, %dma_wait3A_1568] : memref<336x224xf32, #tpu.memory_space<vmem>> -> memref<56x224xf32, #tpu.memory_space<vmem>>
    tpu.wait_dma2 semaphore(%arg12 : memref<!tpu.dma_semaphore, #tpu.memory_space<semaphore_mem>>) src(%dma_wait3A_1569 : memref<56x224xf32, #tpu.memory_space<vmem>>) dst(%dma_wait3A_1566 : memref<56x224xf32, #tpu.memory_space<hbm>>)
    %dma_wait3A_1570 = arith.constant 112 : i32
    %dma_wait3A_1571 = arith.constant 0 : i32
    %dma_wait3A_1572 = tpu.memref_slice %arg4[%dma_wait3A_1570, %dma_wait3A_1571] : memref<336x224xf32, #tpu.memory_space<vmem>> -> memref<56x224xf32, #tpu.memory_space<vmem>>
    %dma_wait3A_1573 = arith.constant 0 : i32
    %dma_wait3A_1574 = tpu.memref_slice %arg3[%select_n3A_1081, %select_n3A_1097, %mul3A_1125, %dma_wait3A_1573] : memref<3x8x224x224xf32, #tpu.memory_space<hbm>> -> memref<1x1x56x224xf32, #tpu.memory_space<hbm>>
    %dma_wait3A_1575 = tpu.memref_squeeze %dma_wait3A_1574 : memref<1x1x56x224xf32, #tpu.memory_space<hbm>> -> memref<56x224xf32, #tpu.memory_space<hbm>>
    %dma_wait3A_1576 = arith.constant 0 : i32
    %dma_wait3A_1577 = tpu.memref_slice %arg3[%select_n3A_1081, %select_n3A_1097, %mul3A_1125, %dma_wait3A_1576] : memref<3x8x224x224xf32, #tpu.memory_space<hbm>> -> memref<1x1x56x224xf32, #tpu.memory_space<hbm>>
    %dma_wait3A_1578 = tpu.memref_squeeze %dma_wait3A_1577 : memref<1x1x56x224xf32, #tpu.memory_space<hbm>> -> memref<56x224xf32, #tpu.memory_space<hbm>>
    %dma_wait3A_1579 = arith.constant 112 : i32
    %dma_wait3A_1580 = arith.constant 0 : i32
    %dma_wait3A_1581 = tpu.memref_slice %arg4[%dma_wait3A_1579, %dma_wait3A_1580] : memref<336x224xf32, #tpu.memory_space<vmem>> -> memref<56x224xf32, #tpu.memory_space<vmem>>
    tpu.wait_dma2 semaphore(%arg13 : memref<!tpu.dma_semaphore, #tpu.memory_space<semaphore_mem>>) src(%dma_wait3A_1581 : memref<56x224xf32, #tpu.memory_space<vmem>>) dst(%dma_wait3A_1578 : memref<56x224xf32, #tpu.memory_space<hbm>>)
    %dma_wait3A_1582 = arith.constant 168 : i32
    %dma_wait3A_1583 = arith.constant 0 : i32
    %dma_wait3A_1584 = tpu.memref_slice %arg4[%dma_wait3A_1582, %dma_wait3A_1583] : memref<336x224xf32, #tpu.memory_space<vmem>> -> memref<56x224xf32, #tpu.memory_space<vmem>>
    %dma_wait3A_1585 = arith.constant 0 : i32
    %dma_wait3A_1586 = tpu.memref_slice %arg3[%select_n3A_1217, %select_n3A_1233, %mul3A_1261, %dma_wait3A_1585] : memref<3x8x224x224xf32, #tpu.memory_space<hbm>> -> memref<1x1x56x224xf32, #tpu.memory_space<hbm>>
    %dma_wait3A_1587 = tpu.memref_squeeze %dma_wait3A_1586 : memref<1x1x56x224xf32, #tpu.memory_space<hbm>> -> memref<56x224xf32, #tpu.memory_space<hbm>>
    %dma_wait3A_1588 = arith.constant 0 : i32
    %dma_wait3A_1589 = tpu.memref_slice %arg3[%select_n3A_1217, %select_n3A_1233, %mul3A_1261, %dma_wait3A_1588] : memref<3x8x224x224xf32, #tpu.memory_space<hbm>> -> memref<1x1x56x224xf32, #tpu.memory_space<hbm>>
    %dma_wait3A_1590 = tpu.memref_squeeze %dma_wait3A_1589 : memref<1x1x56x224xf32, #tpu.memory_space<hbm>> -> memref<56x224xf32, #tpu.memory_space<hbm>>
    %dma_wait3A_1591 = arith.constant 168 : i32
    %dma_wait3A_1592 = arith.constant 0 : i32
    %dma_wait3A_1593 = tpu.memref_slice %arg4[%dma_wait3A_1591, %dma_wait3A_1592] : memref<336x224xf32, #tpu.memory_space<vmem>> -> memref<56x224xf32, #tpu.memory_space<vmem>>
    tpu.wait_dma2 semaphore(%arg14 : memref<!tpu.dma_semaphore, #tpu.memory_space<semaphore_mem>>) src(%dma_wait3A_1593 : memref<56x224xf32, #tpu.memory_space<vmem>>) dst(%dma_wait3A_1590 : memref<56x224xf32, #tpu.memory_space<hbm>>)
    %dma_wait3A_1594 = arith.constant 224 : i32
    %dma_wait3A_1595 = arith.constant 0 : i32
    %dma_wait3A_1596 = tpu.memref_slice %arg4[%dma_wait3A_1594, %dma_wait3A_1595] : memref<336x224xf32, #tpu.memory_space<vmem>> -> memref<56x224xf32, #tpu.memory_space<vmem>>
    %dma_wait3A_1597 = arith.constant 0 : i32
    %dma_wait3A_1598 = tpu.memref_slice %arg3[%select_n3A_1353, %select_n3A_1369, %mul3A_1397, %dma_wait3A_1597] : memref<3x8x224x224xf32, #tpu.memory_space<hbm>> -> memref<1x1x56x224xf32, #tpu.memory_space<hbm>>
    %dma_wait3A_1599 = tpu.memref_squeeze %dma_wait3A_1598 : memref<1x1x56x224xf32, #tpu.memory_space<hbm>> -> memref<56x224xf32, #tpu.memory_space<hbm>>
    %dma_wait3A_1600 = arith.constant 0 : i32
    %dma_wait3A_1601 = tpu.memref_slice %arg3[%select_n3A_1353, %select_n3A_1369, %mul3A_1397, %dma_wait3A_1600] : memref<3x8x224x224xf32, #tpu.memory_space<hbm>> -> memref<1x1x56x224xf32, #tpu.memory_space<hbm>>
    %dma_wait3A_1602 = tpu.memref_squeeze %dma_wait3A_1601 : memref<1x1x56x224xf32, #tpu.memory_space<hbm>> -> memref<56x224xf32, #tpu.memory_space<hbm>>
    %dma_wait3A_1603 = arith.constant 224 : i32
    %dma_wait3A_1604 = arith.constant 0 : i32
    %dma_wait3A_1605 = tpu.memref_slice %arg4[%dma_wait3A_1603, %dma_wait3A_1604] : memref<336x224xf32, #tpu.memory_space<vmem>> -> memref<56x224xf32, #tpu.memory_space<vmem>>
    tpu.wait_dma2 semaphore(%arg15 : memref<!tpu.dma_semaphore, #tpu.memory_space<semaphore_mem>>) src(%dma_wait3A_1605 : memref<56x224xf32, #tpu.memory_space<vmem>>) dst(%dma_wait3A_1602 : memref<56x224xf32, #tpu.memory_space<hbm>>)
    %dma_wait3A_1606 = arith.constant 280 : i32
    %dma_wait3A_1607 = arith.constant 0 : i32
    %dma_wait3A_1608 = tpu.memref_slice %arg4[%dma_wait3A_1606, %dma_wait3A_1607] : memref<336x224xf32, #tpu.memory_space<vmem>> -> memref<56x224xf32, #tpu.memory_space<vmem>>
    %dma_wait3A_1609 = arith.constant 0 : i32
    %dma_wait3A_1610 = tpu.memref_slice %arg3[%select_n3A_1489, %select_n3A_1505, %mul3A_1533, %dma_wait3A_1609] : memref<3x8x224x224xf32, #tpu.memory_space<hbm>> -> memref<1x1x56x224xf32, #tpu.memory_space<hbm>>
    %dma_wait3A_1611 = tpu.memref_squeeze %dma_wait3A_1610 : memref<1x1x56x224xf32, #tpu.memory_space<hbm>> -> memref<56x224xf32, #tpu.memory_space<hbm>>
    %dma_wait3A_1612 = arith.constant 0 : i32
    %dma_wait3A_1613 = tpu.memref_slice %arg3[%select_n3A_1489, %select_n3A_1505, %mul3A_1533, %dma_wait3A_1612] : memref<3x8x224x224xf32, #tpu.memory_space<hbm>> -> memref<1x1x56x224xf32, #tpu.memory_space<hbm>>
    %dma_wait3A_1614 = tpu.memref_squeeze %dma_wait3A_1613 : memref<1x1x56x224xf32, #tpu.memory_space<hbm>> -> memref<56x224xf32, #tpu.memory_space<hbm>>
    %dma_wait3A_1615 = arith.constant 280 : i32
    %dma_wait3A_1616 = arith.constant 0 : i32
    %dma_wait3A_1617 = tpu.memref_slice %arg4[%dma_wait3A_1615, %dma_wait3A_1616] : memref<336x224xf32, #tpu.memory_space<vmem>> -> memref<56x224xf32, #tpu.memory_space<vmem>>
    tpu.wait_dma2 semaphore(%arg16 : memref<!tpu.dma_semaphore, #tpu.memory_space<semaphore_mem>>) src(%dma_wait3A_1617 : memref<56x224xf32, #tpu.memory_space<vmem>>) dst(%dma_wait3A_1614 : memref<56x224xf32, #tpu.memory_space<hbm>>)
    return
  }
}

module attributes {stable_mosaic.version = 14 : i64} {
  func.func @_copy_body(%arg0: i32, %arg1: memref<1x32x224x224xf32, #tpu.memory_space<vmem>>, %arg2: memref<1x32x224x224xf32, #tpu.memory_space<vmem>>) attributes {dimension_semantics = [#tpu.dimension_semantics<arbitrary>], iteration_bounds = array<i64: 3>, scalar_prefetch = 0 : i64, scratch_operands = 0 : i64, tpu.core_type = #tpu.core_type<tc>, window_params = [{transform_indices = @transform_0, window_bounds = array<i64: 1, 32, 224, 224>}, {transform_indices = @transform_1, window_bounds = array<i64: 1, 32, 224, 224>}]} {
    %get3A = arith.constant 0 : index
    %get3A_0 = arith.constant 0 : index
    %get3A_1 = arith.constant 0 : index
    %get3A_2 = arith.constant 0 : index
    %get3A_3 = vector.load %arg1[%get3A, %get3A_0, %get3A_1, %get3A_2] : memref<1x32x224x224xf32, #tpu.memory_space<vmem>>, vector<1x32x224x224xf32>
    %swap3A = arith.constant 0 : index
    %swap3A_4 = arith.constant 0 : index
    %swap3A_5 = arith.constant 0 : index
    %swap3A_6 = arith.constant 0 : index
    %swap3A_7 = vector.load %arg2[%swap3A, %swap3A_4, %swap3A_5, %swap3A_6] : memref<1x32x224x224xf32, #tpu.memory_space<vmem>>, vector<1x32x224x224xf32>
    tpu.vector_store %arg2[%swap3A, %swap3A_4, %swap3A_5, %swap3A_6], %get3A_3 {strides = array<i32>} : memref<1x32x224x224xf32, #tpu.memory_space<vmem>>, vector<1x32x224x224xf32>,
    return
  }
  func.func @transform_0(%arg0: i32) -> (i32, i32, i32, i32) {
    %c0_i32 = arith.constant 0 : i32
    %c0_i32_0 = arith.constant 0 : i32
    %c0_i32_1 = arith.constant 0 : i32
    %c0_i32_2 = arith.constant 0 : i32
    return %arg0, %c0_i32, %c0_i32_0, %c0_i32_1 : i32, i32, i32, i32
  }
  func.func @transform_1(%arg0: i32) -> (i32, i32, i32, i32) {
    %c0_i32 = arith.constant 0 : i32
    %c0_i32_0 = arith.constant 0 : i32
    %c0_i32_1 = arith.constant 0 : i32
    %c0_i32_2 = arith.constant 0 : i32
    return %arg0, %c0_i32, %c0_i32_0, %c0_i32_1 : i32, i32, i32, i32
  }
}

</mosaic_0001>

<sc_bundles>
// kernel: kernel.4.cloned.1.call-start
scs
__scs_entry_jumppad:
0x0: {  	(pc) =	sbr.rel $0x88, $3  }
0x1: {  	(tag) =	ssettag $0x0;
	lr =	simm.s32 $0x1  }
0x2: {  	[smem:$0x3FA0] =	sst lr;
	_ =	strace $0xD0000000  }
0x3: {  	_ = 	snop  }
0x4: {  	_ = 	snop  }
0x5: {  	_ = 	snop  }
0x6: {  	_ = 	snop  }
0x7: {  	_ = 	snop  }
__scs_overlays_trampoline_lowered:
0x8: {  	[smem:$0x3FAF] =	sst s0  }
0x9: {  	[smem:$0x3FB0] =	sst s1  }
0xa: {  	[smem:$0x3FB1] =	sst s2  }
0xb: {  	[smem:$0x3FB2] =	sst s3  }
0xc: {  	[smem:$0x3FB3] =	sst s4  }
0xd: {  	[smem:$0x3FB4] =	sst s5  }
0xe: {  	[smem:$0x3FB5] =	sst s6  }
0xf: {  	[smem:$0x3FB6] =	sst s7  }
0x10: {  	[smem:$0x3FB7] =	sst s8  }
0x11: {  	[smem:$0x3FB8] =	sst s9;
	s0 =	simm.s32 @!p0 $0x0  }
0x12: {  	s1 =	sld [smem:$0x3F9E];
	s0 =	simm.s32 @p0 $0x1  }
0x13: {  	[smem:$0x3FB9] =	sst s0;
	s0 =	simm.s32 @!p1 $0x0  }
0x14: {  	s2 =	sld [smem:$0x3F9D];
	s0 =	simm.s32 @p1 $0x1  }
0x15: {  	[smem:$0x3FBA] =	sst s0;
	s0 =	simm.s32 @!p2 $0x0  }
0x16: {  	s3 =	sld [smem:$0x3FDB];
	s0 =	simm.s32 @p2 $0x1  }
0x17: {  	s4 =	simm.s32 $0x1BF5;
	[smem:$0x3FBC] =	sst s0  }
0x18: {  	s0 =	sld [smem:$0x3F9F];
	_ =	swait.ge [sflag:s4], $0x0  }
0x19: {  	s7 =	sld [smem:$0x3FA0]  }
0x1a: {  	s8 =	sadd.s32 $0xFFFFE003, lr  }
0x1b: {  	s9 =	sadd.s32 $0xFFFFFEF7, lr;
	s5 =	simm.s32 $0xFFFFFFFF;
	p2 =	slt.u32 s8, $0xFFFFF086  }
0x1c: {  	p1 =	slt.u32 s9, $0xF7A;
	s5 =	simm.s32 @!p2 $0x0  }
0x1d: {  	s5 =	simm.s32 @p1 $0x1;
	p0 =	seq.s32 s7, s2  }
0x1e: {  	s7 =	smul.u32 @!p0 $0xF7A, s2;
	p2 =	seq.s32 @!p0 s5, $0x0  }
0x1f: {  	s9 =	smul.u32 $0xF7A, s1;
	s8 =	simm.s32 @!p0 $0x1BF5;
	p2 =	por !p2, p0  }
0x20: {  	[sflag:s8] =	ssyncset.s32 @!p0 $0xFFFFF086;
	s6 =	sadd.s32 @!p0 s3, s7;
	s7 =	simm.s32 @!p0 $0x108  }
0x21: {  	s3 =	sadd.s32 s3, s9;
	s6 =	sadd.s32 @!p0 $0x88, s6;
	s7 =	simm.s32 @p2 $0x1082  }
0x22: {  	[simem:s7], [sflag:s8] =	dma.local @!p0 [hbm:s6], $0xF7A  }
0x23: {  	s9 =	sor.u32 $0xD0000000, s2;
	s6 =	simm.s32 $0x108;
	_ =	swait.ge @!p0 [sflag:s8], $0x0  }
0x24: {  	s3 =	sadd.s32 $0x88, s3;
	s6 =	simm.s32 @!p1 $0x1082;
	[sflag:s4] =	ssyncset.s32 $0xFFFFF086  }
0x25: {  	[simem:s6], [sflag:s4] =	dma.local [hbm:s3], $0xF7A  }
0x26: {  	[smem:$0x3FA0] =	sst s1;
	(tag) =	ssettag s2;
	_ =	strace s9  }
0x27: {  	s1 =	sld [smem:$0x3FB0]  }
0x28: {  	s2 =	sld [smem:$0x3FB1]  }
0x29: {  	s4 =	sld [smem:$0x3FB3]  }
0x2a: {  	p0 =	seq.s32 s5, $0x0;
	s5 =	sld [smem:$0x3FB4]  }
0x2b: {  	s6 =	sld [smem:$0x3FB5]  }
0x2c: {  	s7 =	sld [smem:$0x3FB6]  }
0x2d: {  	s3 =	simm.s32 $0x108;
	s8 =	sld [smem:$0x3FB7]  }
0x2e: {  	s3 =	simm.s32 @!p0 $0x1082;
	s9 =	sld [smem:$0x3FB8]  }
0x2f: {  	lr =	sadd.s32 s0, s3;
	s0 =	sld [smem:$0x3FAF]  }
0x30: {  	s3 =	sld [smem:$0x3FB2]  }
0x31: {  	[smem:$0x3FBB] =	sst s10  }
0x32: {  	s10 =	sld [smem:$0x3FB9];
	_ =	sdelay $0x3  }
0x33: {  	p0 =	seq.s32 s10, $0x1;
	s10 =	sld [smem:$0x3FBB];
	_ =	sdelay $0x3  }
0x34: {  	[smem:$0x3FBB] =	sst s10  }
0x35: {  	s10 =	sld [smem:$0x3FBA];
	_ =	sdelay $0x3  }
0x36: {  	p1 =	seq.s32 s10, $0x1;
	s10 =	sld [smem:$0x3FBB];
	_ =	sdelay $0x3  }
0x37: {  	[smem:$0x3FBB] =	sst s10  }
0x38: {  	s10 =	sld [smem:$0x3FBC]  }
0x39: {  	_ = 	snop;
	(pc) =	sbr.ind lr, $3  }
0x3a: {  	_ = 	snop  }
0x3b: {  	_ = 	snop  }
0x3c: {  	p2 =	seq.s32 s10, $0x1;
	s10 =	sld [smem:$0x3FBB]  }
0x3d: {  	_ =	shalt  }
0x3e: {  	_ =	shalt  }
0x3f: {  	_ =	shalt  }
0x40: {  	_ =	shalt  }
0x41: {  	_ =	shalt  }
0x42: {  	_ =	shalt  }
0x43: {  	_ =	shalt  }
0x44: {  	_ =	shalt  }
0x45: {  	_ =	shalt  }
0x46: {  	_ =	shalt  }
0x47: {  	_ =	shalt  }
0x48: {  	_ =	shalt  }
0x49: {  	_ =	shalt  }
0x4a: {  	_ =	shalt  }
0x4b: {  	_ =	shalt  }
0x4c: {  	_ =	shalt  }
0x4d: {  	_ =	shalt  }
0x4e: {  	_ =	shalt  }
0x4f: {  	_ =	shalt  }
0x50: {  	_ =	shalt  }
0x51: {  	_ =	shalt  }
0x52: {  	_ =	shalt  }
0x53: {  	_ =	shalt  }
0x54: {  	_ =	shalt  }
0x55: {  	_ =	shalt  }
0x56: {  	_ =	shalt  }
0x57: {  	_ =	shalt  }
0x58: {  	_ =	shalt  }
0x59: {  	_ =	shalt  }
0x5a: {  	_ =	shalt  }
0x5b: {  	_ =	shalt  }
0x5c: {  	_ =	shalt  }
0x5d: {  	_ =	shalt  }
0x5e: {  	_ =	shalt  }
0x5f: {  	_ =	shalt  }
0x60: {  	_ =	shalt  }
0x61: {  	_ =	shalt  }
0x62: {  	_ =	shalt  }
0x63: {  	_ =	shalt  }
0x64: {  	_ =	shalt  }
0x65: {  	_ =	shalt  }
0x66: {  	_ =	shalt  }
0x67: {  	_ =	shalt  }
0x68: {  	_ =	shalt  }
0x69: {  	_ =	shalt  }
0x6a: {  	_ =	shalt  }
0x6b: {  	_ =	shalt  }
0x6c: {  	_ =	shalt  }
0x6d: {  	_ =	shalt  }
0x6e: {  	_ =	shalt  }
0x6f: {  	_ =	shalt  }
0x70: {  	_ =	shalt  }
0x71: {  	_ =	shalt  }
0x72: {  	_ =	shalt  }
0x73: {  	_ =	shalt  }
0x74: {  	_ =	shalt  }
0x75: {  	_ =	shalt  }
0x76: {  	_ =	shalt  }
0x77: {  	_ =	shalt  }
0x78: {  	_ =	shalt  }
0x79: {  	_ =	shalt  }
0x7a: {  	_ =	shalt  }
0x7b: {  	_ =	shalt  }
0x7c: {  	_ =	shalt  }
0x7d: {  	_ =	shalt  }
0x7e: {  	_ =	shalt  }
0x7f: {  	_ =	shalt  }
0x80: {  	_ =	shalt  }
0x81: {  	_ =	shalt  }
0x82: {  	_ =	shalt  }
0x83: {  	_ =	shalt  }
0x84: {  	_ =	shalt  }
0x85: {  	_ =	shalt  }
0x86: {  	_ =	shalt  }
0x87: {  	_ =	shalt  }
.Lfunc_end0:
.L_simem_size_0:
called_computation_lowered:
.L_overlay_start_0:
0x88: {  	s0 =	sld [smem:$0x3FD9]  }
0x89: {  	s1 =	sld [smem:$0x3FFE];
	_ =	sdelay $0x3  }
0x8a: {  	s0 =	sadd.s32 s1, s0  }
0x8b: {  	[smem:$0x3FC7] =	sst s0  }
0x8c: {  	_ = 	snop  }
0x8d: {  	s0 =	sld [smem:$0x3FD0];
	_ =	sdelay $0x2  }
0x8e: {  	s2 =	simm.s32 $0xA;
	s3 =	simm.s32 $0x10;
	s14 =	sld [smem:$0x3FC9]  }
0x8f: {  	[smem:s3], [sflag:s2] =	dma.local [hbm:s0], $0x1  }
0x90: {  	_ =	swait.eq [sflag:s2], $0x1  }
0x91: {  	[sflag:s2] =	ssyncset.done $0x0  }
0x92: {  	[sflag:s2] =	ssyncadd.s32 $0xFFFFFFFF  }
0x93: {  	s15 =	sld [smem:$0x10];
	(tm) =	ssettm $0x1  }
0x94: {  	s16 =	sld [smem:$0x3FFB];
	_ =	sdelay $0x3  }
0x95: {  	_ =	strace s16  }
0x96: {  	s2 =	sld [smem:$0x3FFC];
	_ =	sdelay $0x3  }
0x97: {  	_ =	strace s2  }
0x98: {  	s2 =	sld [smem:$0x3FFD];
	_ =	sdelay $0x3  }
0x99: {  	_ =	strace s2  }
0x9a: {  	_ =	strace $0x8FFFFFFF  }
0x9b: {  	s17 =	sld [smem:$0x3FDB];
	_ =	sdelay $0x1  }
0x9c: {  	s18 =	simm.s32 $_scs_section_size  }
0x9d: {  	s4 =	simm.s32 $_size__tile_overlayer_lowered;
	s5 =	simm.s32 $_tile_overlayer_lowered  }
0x9e: {  	s21 =	simm.s32 $0x1BFF;
	s20 =	sshll.u32 s5, $0x1;
	s2 =	sadd.s32 s18, s17  }
0x9f: {  	s6 =	simm.s32 $0x0;
	s19 =	sshll.u32 s4, $0x1;
	s4 =	sadd.s32 s20, s2  }
0xa0: {  	[timem:s6], [sflag:s21] =	dma.local [hbm:s4], s19  }
0xa1: {  	_ =	swait.ge [sflag:s21], s19  }
0xa2: {  	s3 =	ssub.s32 $0x0, s19;
	[sflag:s21] =	ssyncset.done $0x0  }
0xa3: {  	[sflag:s21] =	ssyncadd.s32 s3;
	_ =	sdelay $0x1  }
0xa4: {  	s22 =	simm.s32 $0x1B8B  }
0xa5: {  	_ =	swait.ge [sflag:s22], $0x1  }
0xa6: {  	[sflag:s22] =	ssyncset.done $0x0  }
0xa7: {  	s23 =	simm.s32 $0x1B8E;
	[sflag:s22] =	ssyncadd.s32 $0xFFFFFFFF  }
0xa8: {  	s24 =	simm.s32 $execute0_lowered;
	[smem:$0x3FD2] =	sst s23  }
0xa9: {  	s3 =	sshll.u32 s24, $0x1;
	_ =	strace $0x80000046;
	[dreg:$0x1] =	wrdreg $0xFFFFFFFF  }
0xaa: {  	s25 =	simm.s32 $_size_execute0_lowered;
	s2 =	sadd.s32 s2, s3;
	[dreg:$0x0] =	wrdreg $0x0  }
0xab: {  	s3 =	sshll.u32 s25, $0x1;
	[dreg:$0x2] =	wrdreg s2  }
0xac: {  	[dreg:$0x3] =	wrdreg s3  }
0xad: {  	[dreg:$0x4] =	wrdreg $0xC0  }
0xae: {  	_ =	task [dreg:s6], $0x5FFFF  }
0xaf: {  	[dreg:$0x1] =	wrdreg $0xFFFFFFFF  }
0xb0: {  	[dreg:$0x0] =	wrdreg $0x60  }
0xb1: {  	[dreg:$0x2] =	wrdreg s14  }
0xb2: {  	[dreg:$0x3] =	wrdreg s15  }
0xb3: {  	[dreg:$0x4] =	wrdreg $0x9  }
0xb4: {  	_ =	task.clear_ibuf [dreg:s6], $0x5FFFF;
	_ =	strace $0x90000046  }
0xb5: {  	s26 =	simm.s32 $0x9;
	_ =	strace $0x80000048  }
0xb6: {  	_ =	swait.ge [sflag:s26], $0x1  }
0xb7: {  	[sflag:s26] =	ssyncadd.s32 $0xFFFFFFFF  }
0xb8: {  	_ =	strace $0x90000048  }
0xb9: {  	_ =	sfence  }
0xba: {  	s28 =	sld [smem:$0x0];
	_ =	sdelay $0x1  }
0xbb: {  	s29 =	srdreg.scid  }
0xbc: {  	s30 =	sshll.u32 s29, $0xD;
	s31 =	sshrl.u32 s29, $0x2  }
0xbd: {  	s1 =	sand.u32 $0x1, s29;
	s2 =	sand.u32 $0x4000, s30;
	s0 =	sadd.s32 s31, s28  }
0xbe: {  	s1 =	sor.u32 s2, s1;
	s0 =	sshll.u32 s0, $0x11  }
0xbf: {  	s0 =	sor.u32 s0, s1  }
0xc0: {  	s0 =	sadd.s32 $0x8F2B, s0  }
0xc1: {  	[sflag:s0] =	ssyncadd.remote.s32 $0x1  }
0xc2: {  	_ =	sfence.sel $0xFFFF  }
0xc3: {  	[dreg:$0x0] =	wrdreg $0xFFFFFFFF;
	(pc) =	sbr.abs _section_cstart, $3  }
0xc4: {  	[dreg:$0x1] =	wrdreg $0xFFFFFFFF  }
0xc5: {  	_ =	task.clear_ibuf [dreg:s6], $0x2FFFF;
	_ =	strace $0x9FFFFFFF  }
0xc6: {  	(tm) =	ssettm $0x7FFFFFFF  }
0xc7: {  	_ =	shalt  }
tec
execute0_lowered:
.L_overlay_start_1:
0x0: {  	(tag) =	ssettag $0x1  }
0x1: {  	s0 =	stileid.u32  }
0x2: {  	s13 =	smul.u32 $0x6, s0;
	_ =	sdelay $0x1  }
0x3: {  	s1 =	sshrl.u32 s13, $0x2  }
0x4: {  	s5 =	sand.u32 $0x7, s1  }
0x5: {  	s1 =	smul.u32 $0x47B, s5  }
0x6: {  	s2 =	smul.u32 $0x1F, s5  }
0x7: {  	s1 =	sshrl.u32 s1, $0x8  }
0x8: {  	s9 =	rddreg [dreg:$0x0];
	s2 =	ssub.s32 s2, s1  }
0x9: {  	s8 =	sshrl.u32 s13, $0x5;
	s4 =	sand.u32 $0x2, s13;
	s2 =	sand.u32 $0xFE, s2  }
0xa: {  	s12 =	sadd.s32 $0x2, s13;
	s3 =	smul.u32 $0x1C0000, s8;
	s2 =	sshrl.u32 s2, $0x1  }
0xb: {  	s16 =	sadd.s32 $0x3, s13;
	s4 =	smul.u32 $0x3800, s4;
	s1 =	sadd.s32 s1, s2  }
0xc: {  	s18 =	sshrl.u32 s16, $0x2;
	s8 =	smul.u32 $0x70000, s8;
	s1 =	sshrl.u32 s1, $0x2  }
0xd: {  	s28 =	sand.u32 $0x3, s16;
	s16 =	sshrl.u32 s16, $0x5;
	s6 =	smul.u32 $0xE000, s1  }
0xe: {  	s20 =	sshrl.u32 s12, $0x2;
	s22 =	sand.u32 $0x2, s12;
	s29 =	smul.u32 $0x1C0000, s16  }
0xf: {  	s2 =	rddreg [dreg:$0x1];
	s14 =	sadd.s32 s3, s6;
	s6 =	sand.u32 $0x7, s20  }
0x10: {  	s12 =	sshrl.u32 s12, $0x5;
	s1 =	rddreg [dreg:$0x2];
	s10 =	smul.u32 $0x47B, s6  }
0x11: {  	s3 =	simm.s32 $0x0;
	s7 =	sadd.s32 s4, s14;
	s21 =	smul.u32 $0x1F, s6  }
0x12: {  	[smem:$0x7FF] =	sst s3;
	s7 =	sshrl.u32 s7, $0x3;
	s15 =	sshrl.u32 s10, $0x8  }
0x13: {  	_ =	strace $0x80000047;
	s17 =	sadd.s32 s9, s7;
	s7 =	ssub.s32 s21, s15  }
0x14: {  	[tilespmem:s3], [sflag:$0x1] =	stream.linear.gather [hbm4b:s17+s3], $0x3800, $0x38;
	[tilespmem:$0x15000] =	vst v63  }
0x15: {  	s20 =	smul.u32 $0x1C0000, s12;
	s19 =	sand.u32 $0xFE, s7;
	s7 =	sand.u32 $0x7, s18  }
0x16: {  	s30 =	sadd.s32 $0x4, s13;
	s11 =	sadd.s32 $0x3800, s4;
	s24 =	smul.u32 $0x47B, s7  }
0x17: {  	s14 =	sadd.s32 s11, s14;
	s23 =	sshrl.u32 s19, $0x1;
	s25 =	smul.u32 $0x1F, s7  }
0x18: {  	s14 =	sshrl.u32 s14, $0x3;
	s15 =	sadd.s32 s15, s23;
	s19 =	sshrl.u32 s24, $0x8  }
0x19: {  	s10 =	smul.u32 $0x3800, s22;
	s15 =	sshrl.u32 s15, $0x2;
	s18 =	ssub.s32 s25, s19  }
0x1a: {  	s22 =	sshrl.u32 s30, $0x2;
	s15 =	smul.u32 $0xE000, s15;
	s18 =	sand.u32 $0xFE, s18  }
0x1b: {  	s21 =	sadd.s32 s9, s14;
	s26 =	sor.u32 s20, s10;
	s18 =	sshrl.u32 s18, $0x1  }
0x1c: {  	s14 =	smul.u32 $0x3800, s28;
	s15 =	sadd.s32 s15, s26;
	s18 =	sadd.s32 s19, s18  }
0x1d: {  	s17 =	sshrl.u32 s30, $0x5;
	s15 =	sshrl.u32 s15, $0x3;
	s18 =	sshrl.u32 s18, $0x2  }
0x1e: {  	s23 =	sadd.s32 s9, s15;
	s15 =	sand.u32 $0x7, s22;
	s18 =	smul.u32 $0xE000, s18  }
0x1f: {  	s20 =	simm.s32 $0xA800;
	s22 =	sadd.s32 $0x5, s13;
	s25 =	smul.u32 $0x47B, s15  }
0x20: {  	s19 =	sor.u32 s29, s14;
	s31 =	smul.u32 $0x1F, s15;
	s24 =	sshrl.u32 s22, $0x2  }
0x21: {  	s13 =	sand.u32 $0x7, s24;
	s24 =	simm.s32 $0x3800;
	s25 =	sshrl.u32 s25, $0x8  }
0x22: {  	[tilespmem:s24], [sflag:$0x2] =	stream.linear.gather [hbm4b:s21+s3], $0x3800, $0x38;
	[tilespmem:$0x15000] =	vst v63  }
0x23: {  	s28 =	smul.u32 $0x47B, s13;
	s21 =	simm.s32 $0x7000;
	s26 =	ssub.s32 s31, s25  }
0x24: {  	[tilespmem:s21], [sflag:$0x3] =	stream.linear.gather [hbm4b:s23+s3], $0x3800, $0x38;
	[tilespmem:$0x15000] =	vst v63  }
0x25: {  	s18 =	sadd.s32 s18, s19;
	s29 =	sand.u32 $0xFE, s26;
	s26 =	smul.u32 $0x1F, s13  }
0x26: {  	s18 =	sshrl.u32 s18, $0x3;
	s19 =	sshrl.u32 s28, $0x8;
	s30 =	sshrl.u32 s29, $0x1  }
0x27: {  	s18 =	sadd.s32 s9, s18;
	s23 =	sadd.s32 s25, s30;
	s31 =	ssub.s32 s26, s19  }
0x28: {  	[tilespmem:s20], [sflag:$0x4] =	stream.linear.gather [hbm4b:s18+s3], $0x3800, $0x38;
	[tilespmem:$0x15000] =	vst v63  }
0x29: {  	s26 =	smul.u32 $0x1C0000, s17;
	s28 =	sshrl.u32 s23, $0x2;
	s29 =	sand.u32 $0xFE, s31  }
0x2a: {  	s31 =	sand.u32 $0x3, s22;
	s25 =	smul.u32 $0xE000, s28;
	s30 =	sshrl.u32 s29, $0x1  }
0x2b: {  	s18 =	smul.u32 $0x3800, s31;
	s28 =	sadd.s32 s19, s30;
	s19 =	sshrl.u32 s22, $0x5  }
0x2c: {  	s26 =	sor.u32 s4, s26;
	s29 =	sshrl.u32 s28, $0x2;
	s30 =	smul.u32 $0x1C0000, s19  }
0x2d: {  	s22 =	sadd.s32 s25, s26;
	s23 =	smul.u32 $0xE000, s29  }
0x2e: {  	s5 =	smul.u32 $0xE000, s5;
	s22 =	sshrl.u32 s22, $0x3;
	s31 =	sor.u32 s30, s18  }
0x2f: {  	s25 =	simm.s32 $0xE000;
	s22 =	sadd.s32 s9, s22;
	s23 =	sadd.s32 s23, s31  }
0x30: {  	[tilespmem:s25], [sflag:$0x5] =	stream.linear.gather [hbm4b:s22+s3], $0x3800, $0x38;
	[tilespmem:$0x15000] =	vst v63  }
0x31: {  	s5 =	sadd.s32 s8, s5;
	s23 =	sshrl.u32 s23, $0x3  }
0x32: {  	s26 =	simm.s32 $0x11800;
	s28 =	simm.s32 $0x1;
	s9 =	sadd.s32 s9, s23  }
0x33: {  	[tilespmem:s26], [sflag:$0x6] =	stream.linear.gather [hbm4b:s9+s3], $0x3800, $0x38;
	[tilespmem:$0x15000] =	vst v63  }
0x34: {  	s29 =	sadd.s32 s4, s5;
	_ =	swait.ge [sflag:s28], $0x3800  }
0x35: {  	s9 =	sshrl.u32 s29, $0x3;
	[sflag:s28] =	ssyncset.done $0x0  }
0x36: {  	s31 =	simm.s32 $0x2;
	s30 =	sadd.s32 s2, s9;
	[sflag:s28] =	ssyncadd.s32 $0xFFFFC800  }
0x37: {  	[hbm4b:s30+s3] =	stream.linear.scatter [tilespmem:s3], [sflag:$0x7], $0x3800, $0x38;
	[tilespmem:$0x15000] =	vst v63  }
0x38: {  	s5 =	sadd.s32 s11, s5;
	_ =	swait.ge [sflag:s31], $0x3800  }
0x39: {  	s6 =	smul.u32 $0xE000, s6;
	s5 =	sshrl.u32 s5, $0x3;
	[sflag:s31] =	ssyncset.done $0x0  }
0x3a: {  	s5 =	sadd.s32 s2, s5;
	s9 =	smul.u32 $0x70000, s12;
	[sflag:s31] =	ssyncadd.s32 $0xFFFFC800  }
0x3b: {  	[hbm4b:s5+s3] =	stream.linear.scatter [tilespmem:s24], [sflag:$0x8], $0x3800, $0x38;
	[tilespmem:$0x15000] =	vst v63  }
0x3c: {  	s5 =	sor.u32 s9, s10;
	s10 =	simm.s32 $0x3  }
0x3d: {  	s5 =	sadd.s32 s6, s5;
	_ =	swait.ge [sflag:s10], $0x3800  }
0x3e: {  	s11 =	smul.u32 $0x70000, s16;
	s5 =	sshrl.u32 s5, $0x3;
	[sflag:s10] =	ssyncset.done $0x0  }
0x3f: {  	s12 =	smul.u32 $0xE000, s7;
	[sflag:s10] =	ssyncadd.s32 $0xFFFFC800;
	s5 =	sadd.s32 s2, s5  }
0x40: {  	[hbm4b:s5+s3] =	stream.linear.scatter [tilespmem:s21], [sflag:$0x9], $0x3800, $0x38;
	[tilespmem:$0x15000] =	vst v63  }
0x41: {  	s5 =	sor.u32 s11, s14;
	s14 =	simm.s32 $0x4  }
0x42: {  	s5 =	sadd.s32 s12, s5;
	_ =	swait.ge [sflag:s14], $0x3800  }
0x43: {  	s16 =	smul.u32 $0x70000, s17;
	s5 =	sshrl.u32 s5, $0x3;
	[sflag:s14] =	ssyncset.done $0x0  }
0x44: {  	s17 =	smul.u32 $0xE000, s15;
	[sflag:s14] =	ssyncadd.s32 $0xFFFFC800;
	s5 =	sadd.s32 s2, s5  }
0x45: {  	[hbm4b:s5+s3] =	stream.linear.scatter [tilespmem:s20], [sflag:$0xA], $0x3800, $0x38;
	[tilespmem:$0x15000] =	vst v63  }
0x46: {  	s4 =	sor.u32 s4, s16;
	s20 =	simm.s32 $0x5  }
0x47: {  	s4 =	sadd.s32 s17, s4;
	_ =	swait.ge [sflag:s20], $0x3800  }
0x48: {  	s4 =	sshrl.u32 s4, $0x3;
	s23 =	smul.u32 $0xE000, s13;
	[sflag:s20] =	ssyncset.done $0x0  }
0x49: {  	s4 =	sadd.s32 s2, s4;
	s21 =	smul.u32 $0x70000, s19;
	[sflag:s20] =	ssyncadd.s32 $0xFFFFC800  }
0x4a: {  	[hbm4b:s4+s3] =	stream.linear.scatter [tilespmem:s25], [sflag:$0xB], $0x3800, $0x38;
	[tilespmem:$0x15000] =	vst v63  }
0x4b: {  	s24 =	simm.s32 $0x6;
	s4 =	sor.u32 s21, s18  }
0x4c: {  	s4 =	sadd.s32 s23, s4;
	_ =	swait.ge [sflag:s24], $0x3800  }
0x4d: {  	s4 =	sshrl.u32 s4, $0x3;
	[sflag:s24] =	ssyncset.done $0x0  }
0x4e: {  	s25 =	simm.s32 $0x7;
	s2 =	sadd.s32 s2, s4;
	[sflag:s24] =	ssyncadd.s32 $0xFFFFC800  }
0x4f: {  	[hbm4b:s2+s3] =	stream.linear.scatter [tilespmem:s26], [sflag:$0xC], $0x3800, $0x38;
	[tilespmem:$0x15000] =	vst v63  }
0x50: {  	_ =	swait.ge [sflag:s25], $0x3800  }
0x51: {  	[sflag:s25] =	ssyncset.done $0x0  }
0x52: {  	s26 =	simm.s32 $0x8;
	[sflag:s25] =	ssyncadd.s32 $0xFFFFC800  }
0x53: {  	_ =	swait.ge [sflag:s26], $0x3800  }
0x54: {  	[sflag:s26] =	ssyncset.done $0x0  }
0x55: {  	s28 =	simm.s32 $0x9;
	[sflag:s26] =	ssyncadd.s32 $0xFFFFC800  }
0x56: {  	_ =	swait.ge [sflag:s28], $0x3800  }
0x57: {  	[sflag:s28] =	ssyncset.done $0x0  }
0x58: {  	s29 =	simm.s32 $0xA;
	[sflag:s28] =	ssyncadd.s32 $0xFFFFC800  }
0x59: {  	_ =	swait.ge [sflag:s29], $0x3800  }
0x5a: {  	[sflag:s29] =	ssyncset.done $0x0  }
0x5b: {  	s30 =	simm.s32 $0xB;
	[sflag:s29] =	ssyncadd.s32 $0xFFFFC800  }
0x5c: {  	_ =	swait.ge [sflag:s30], $0x3800  }
0x5d: {  	[sflag:s30] =	ssyncset.done $0x0  }
0x5e: {  	s31 =	simm.s32 $0xC;
	[sflag:s30] =	ssyncadd.s32 $0xFFFFC800  }
0x5f: {  	_ =	swait.ge [sflag:s31], $0x3800  }
0x60: {  	[sflag:s31] =	ssyncset.done $0x0  }
0x61: {  	[sflag:s31] =	ssyncadd.s32 $0xFFFFC800  }
0x62: {  	_ =	sfence.sel $0x180000  }
0x63: {  	[bflag:$0x0] =	sbarrier.arrive $0xFFFF  }
0x64: {  	p0 =	sne.s32 s0, $0x0;
	_ =	strace $0x90000047  }
0x65: {  	s0 =	sadd.s32 @!p0 $0x100000, s1;
	[bflag:$0x2] =	sbarrier.arrive $0xFFFF  }
0x66: {  	[sflag:s0] =	ssyncadd.tile.s32 @!p0 $0x1;
	_ =	shalt  }
.Lfunc_end2:
_tile_overlayer_lowered:
.L_overlay_start_2:
0x67: {  	(tag) =	ssettag $0x2  }
0x68: {  	s0 =	rddreg [dreg:$0x0];
	s2 =	stileid.u32  }
0x69: {  	s1 =	rddreg [dreg:$0x1];
	p0 =	sne.s32 s2, $0x0  }
0x6a: {  	s3 =	rddreg [dreg:$0x2];
	[bflag:$0x3] =	sbarrier.arrive $0xFFFF;
	s2 =	simm.s32 @!p0 $0x1C0D  }
0x6b: {  	[timem:s3], [sflag:s2] =	dma.local @!p0 [hbm:s0], s1  }
0x6c: {  	s0 =	simm.s32 @!p0 $0xD  }
0x6d: {  	_ =	swait.ge @!p0 [sflag:s0], s1  }
0x6e: {  	s1 =	ssub.s32 @!p0 $0x0, s1;
	[sflag:s0] =	ssyncset.done @!p0 $0x0  }
0x6f: {  	[sflag:s0] =	ssyncadd.s32 @!p0 s1  }
0x70: {  	[bflag:$0x3] =	sbarrier.arrive $0xFFFF  }
0x71: {  	_ =	shalt  }

</sc_bundles>
